<compile_context>
chip_gen: v7x
topology: tpu7x:2x2x1
jax: 0.10.2.dev20260603
libtpu: 0.0.44.dev20260713+nightly
codegen_flags: <defaults>
</compile_context>

<pallas_src>
import functools

import jax
import jax.numpy as jnp
from jax import lax
from jax.experimental import pallas as pl
from jax.experimental.pallas import tpu as pltpu
from jax.experimental.pallas import tpu_sc as plsc

_CHUNK = 128
_NBUF = 8


@functools.partial(jax.jit, static_argnames=("nc", "ns"))
def _sc_gather(ids_2d, ptab, nc, ns):
    n_chunks_total, chunk = ids_2d.shape
    _, d = ptab.shape
    nw = nc * ns
    n_chunks = n_chunks_total // nw
    n_outer = n_chunks // _NBUF
    assert n_chunks_total == nw * n_outer * _NBUF

    mesh = plsc.VectorSubcoreMesh(
        core_axis_name="c", subcore_axis_name="s", num_cores=nc, num_subcores=ns
    )

    @functools.partial(
        pl.kernel,
        out_type=jax.ShapeDtypeStruct((n_chunks_total * chunk, 128), jnp.float32),
        mesh=mesh,
        scratch_types=[
            pltpu.VMEM((n_chunks, chunk), jnp.int32),
            pltpu.VMEM((_NBUF, chunk, d), jnp.float32),
            pltpu.SemaphoreType.DMA((_NBUF,)),
            pltpu.SemaphoreType.DMA((_NBUF,)),
        ],
        compiler_params=pltpu.CompilerParams(use_tc_tiling_on_sc=False),
    )
    def k(ids_hbm, ptab_hbm, out_hbm, idx_v, rows_v, gsem, ssem):
        cid = lax.axis_index("c")
        sid = lax.axis_index("s")
        wid = sid * nc + cid
        cbase = wid * n_chunks

        pltpu.sync_copy(ids_hbm.at[pl.ds(cbase, n_chunks)], idx_v)

        def gather_start(j, b):
            pltpu.async_copy(ptab_hbm.at[idx_v.at[j]], rows_v.at[b], gsem.at[b])

        def gather_wait(b):
            pltpu.make_async_copy(
                ptab_hbm.at[pl.ds(0, chunk)], rows_v.at[b], gsem.at[b]
            ).wait()

        def scatter_start(j, b):
            pltpu.async_copy(
                rows_v.at[b],
                out_hbm.at[pl.ds((cbase + j) * chunk, chunk), pl.ds(0, d)],
                ssem.at[b],
            )

        def scatter_wait(b):
            pltpu.make_async_copy(
                rows_v.at[b], out_hbm.at[pl.ds(0, chunk), pl.ds(0, d)], ssem.at[b]
            ).wait()

        for b in range(_NBUF):
            gather_start(b, b)

        def outer(g, carry):
            for b in range(_NBUF):
                gather_wait(b)
                scatter_start(g * _NBUF + b, b)
            for b in range(_NBUF):
                scatter_wait(b)
                gather_start((g + 1) * _NBUF + b, b)
            return carry

        lax.fori_loop(0, n_outer - 1, outer, 0, unroll=False)

        g_last = n_outer - 1
        for b in range(_NBUF):
            gather_wait(b)
            scatter_start(g_last * _NBUF + b, b)
        for b in range(_NBUF):
            scatter_wait(b)

    return k(ids_2d, ptab)


def kernel(ids, pe):
    b, s = ids.shape
    v, d = pe.shape
    info = plsc.get_sparse_core_info()
    nc, ns = info.num_cores, info.num_subcores
    ids_2d = ids.reshape(b * s // _CHUNK, _CHUNK).astype(jnp.int32)
    rows = _sc_gather(ids_2d, pe, nc, ns)
    return rows[:, :d].reshape(b, s, d)

# --- scband reference (transcript-rebuilt; emitter-appended) ---
"""Pipeline reference for scband-sinusoidal-encoding-45183055954426 (READ-ONLY COPY).

The authoritative reference and input builder live on the scoring server;
editing this copy changes nothing except your own understanding.
"""

import jax, jax.numpy as jnp
import numpy as np

EMBED_SIZE = 64
MAX_ID = 1000000
BATCH = 4096
SEQ_LEN = 200


def _build_pe(max_id, embed_size):
    pe = np.zeros((max_id + 1, embed_size), dtype=np.float32)
    position = np.arange(0, max_id, dtype=np.float32)[:, None]
    div_term = np.exp(np.arange(0, embed_size, 2).astype(np.float32) * (-np.log(10000.0) / embed_size))
    pe[:max_id, 0::2] = np.sin(position * div_term)
    pe[:max_id, 1::2] = np.cos(position * div_term[: embed_size // 2])
    return jnp.asarray(pe)


def setup_inputs(seed: int = 0) -> dict:
    key = jax.random.key(seed)
    ids = jax.random.randint(key, (BATCH, SEQ_LEN), 0, MAX_ID, dtype=jnp.int64 if jax.config.jax_enable_x64 else jnp.int32)
    pe = _build_pe(MAX_ID, EMBED_SIZE)
    return {"ids": ids, "pe": pe}


def reference(ids, pe):
    # Faithful translation of SinusoidalEncoding.forward: self.pe[ids]
    return jnp.take(pe, ids, axis=0)

if __name__ == "__main__":
    import jax
    _d = setup_inputs()
    print(jax.jit(kernel)(*tuple(_d.values())))

</pallas_src>

<mosaic_0001>
#map = affine_map<(d0, d1) -> (0, 0)>
module attributes {stable_mosaic.version = 14 : i64} {
  func.func @k(%arg0: i32, %arg1: i32, %arg2: memref<6400x128xi32, #tpu.memory_space<hbm>>, %arg3: memref<1000001x64xf32, #tpu.memory_space<hbm>>, %arg4: memref<819200x128xf32, #tpu.memory_space<hbm>>, %arg5: memref<200x128xi32, #tpu.memory_space<vmem>>, %arg6: memref<8x128x64xf32, #tpu.memory_space<vmem>>, %arg7: memref<8x!tpu.dma_semaphore, #tpu.memory_space<semaphore_mem>>, %arg8: memref<8x!tpu.dma_semaphore, #tpu.memory_space<semaphore_mem>>) attributes {dimension_semantics = [#tpu.dimension_semantics<core_parallel>, #tpu.dimension_semantics<subcore_parallel>], iteration_bounds = array<i64: 2, 16>, scalar_prefetch = 0 : i64, scratch_operands = 4 : i64, tpu.core_type = #tpu.core_type<sc_vector_subcore>, window_params = [{transform_indices = #map}, {transform_indices = #map}, {transform_indices = #map}]} {
    %mul3A = arith.constant 2 : i32
    %mul3A_0 = arith.muli %arg1, %mul3A : i32
    %add3A = arith.addi %mul3A_0, %arg0 : i32
    %mul3A_1 = arith.constant 200 : i32
    %mul3A_2 = arith.muli %add3A, %mul3A_1 : i32
    "tpu.region"() ({
      %run_scoped3A = tpu.sem_alloc : memref<!tpu.dma_semaphore, #tpu.memory_space<semaphore_mem>>
      %dma_start3A_574 = arith.constant 0 : i32
      %dma_start3A_575 = tpu.memref_slice %arg2[%mul3A_2, %dma_start3A_574] : memref<6400x128xi32, #tpu.memory_space<hbm>> -> memref<200x128xi32, #tpu.memory_space<hbm>>
      %dma_start3A_576 = arith.constant 0 : i32
      %dma_start3A_577 = tpu.memref_slice %arg2[%mul3A_2, %dma_start3A_576] : memref<6400x128xi32, #tpu.memory_space<hbm>> -> memref<200x128xi32, #tpu.memory_space<hbm>>
      tpu.enqueue_dma source(%dma_start3A_577 : memref<200x128xi32, #tpu.memory_space<hbm>>) target(%arg5 : memref<200x128xi32, #tpu.memory_space<vmem>>) target_semaphore(%run_scoped3A : memref<!tpu.dma_semaphore, #tpu.memory_space<semaphore_mem>>)
      %dma_wait3A_578 = arith.constant 0 : i32
      %dma_wait3A_579 = tpu.memref_slice %arg2[%mul3A_2, %dma_wait3A_578] : memref<6400x128xi32, #tpu.memory_space<hbm>> -> memref<200x128xi32, #tpu.memory_space<hbm>>
      %dma_wait3A_580 = arith.constant 0 : i32
      %dma_wait3A_581 = tpu.memref_slice %arg2[%mul3A_2, %dma_wait3A_580] : memref<6400x128xi32, #tpu.memory_space<hbm>> -> memref<200x128xi32, #tpu.memory_space<hbm>>
      tpu.wait_dma2 semaphore(%run_scoped3A : memref<!tpu.dma_semaphore, #tpu.memory_space<semaphore_mem>>) src(%dma_wait3A_581 : memref<200x128xi32, #tpu.memory_space<hbm>>) dst(%arg5 : memref<200x128xi32, #tpu.memory_space<vmem>>)
      tpu.yield
    }) : () -> ()
    %dma_start3A = arith.constant 0 : i32
    %dma_start3A_3 = arith.constant 0 : i32
    %dma_start3A_4 = arith.constant 0 : i32
    %dma_start3A_5 = arith.constant 0 : i32
    %dma_start3A_6 = arith.constant 0 : i32
    %dma_start3A_7 = tpu.memref_slice %arg6[%dma_start3A_3, %dma_start3A_5, %dma_start3A_6] : memref<8x128x64xf32, #tpu.memory_space<vmem>> -> memref<1x128x64xf32, #tpu.memory_space<vmem>>
    %dma_start3A_8 = tpu.memref_squeeze %dma_start3A_7 : memref<1x128x64xf32, #tpu.memory_space<vmem>> -> memref<128x64xf32, #tpu.memory_space<vmem>>
    %dma_start3A_9 = arith.constant 0 : i32
    %dma_start3A_10 = tpu.memref_slice %arg5[%dma_start3A, %dma_start3A_9] : memref<200x128xi32, #tpu.memory_space<vmem>> -> memref<1x128xi32, #tpu.memory_space<vmem>>
    %dma_start3A_11 = tpu.memref_squeeze %dma_start3A_10 : memref<1x128xi32, #tpu.memory_space<vmem>> -> memref<128xi32, #tpu.memory_space<vmem>>
    %dma_start3A_12 = arith.constant 0 : i32
    %dma_start3A_13 = arith.constant 0 : i32
    %dma_start3A_14 = tpu.memref_slice %arg3[%dma_start3A_12, %dma_start3A_13] : memref<1000001x64xf32, #tpu.memory_space<hbm>> -> memref<1000001x64xf32, #tpu.memory_space<hbm>>
    %dma_start3A_15 = tpu.memref_slice %arg7[%dma_start3A_4] : memref<8x!tpu.dma_semaphore, #tpu.memory_space<semaphore_mem>> -> memref<1x!tpu.dma_semaphore, #tpu.memory_space<semaphore_mem>>
    %dma_start3A_16 = tpu.memref_squeeze %dma_start3A_15 : memref<1x!tpu.dma_semaphore, #tpu.memory_space<semaphore_mem>> -> memref<!tpu.dma_semaphore, #tpu.memory_space<semaphore_mem>>
    tpu.enqueue_indirect_dma source(%dma_start3A_14 : memref<1000001x64xf32, #tpu.memory_space<hbm>>) target(%dma_start3A_8 : memref<128x64xf32, #tpu.memory_space<vmem>>) offsets(%dma_start3A_11 : memref<128xi32, #tpu.memory_space<vmem>>) semaphore(%dma_start3A_16 : memref<!tpu.dma_semaphore, #tpu.memory_space<semaphore_mem>>)
    %dma_start3A_17 = arith.constant 1 : i32
    %dma_start3A_18 = arith.constant 1 : i32
    %dma_start3A_19 = arith.constant 1 : i32
    %dma_start3A_20 = arith.constant 0 : i32
    %dma_start3A_21 = arith.constant 0 : i32
    %dma_start3A_22 = tpu.memref_slice %arg6[%dma_start3A_18, %dma_start3A_20, %dma_start3A_21] : memref<8x128x64xf32, #tpu.memory_space<vmem>> -> memref<1x128x64xf32, #tpu.memory_space<vmem>>
    %dma_start3A_23 = tpu.memref_squeeze %dma_start3A_22 : memref<1x128x64xf32, #tpu.memory_space<vmem>> -> memref<128x64xf32, #tpu.memory_space<vmem>>
    %dma_start3A_24 = arith.constant 0 : i32
    %dma_start3A_25 = tpu.memref_slice %arg5[%dma_start3A_17, %dma_start3A_24] : memref<200x128xi32, #tpu.memory_space<vmem>> -> memref<1x128xi32, #tpu.memory_space<vmem>>
    %dma_start3A_26 = tpu.memref_squeeze %dma_start3A_25 : memref<1x128xi32, #tpu.memory_space<vmem>> -> memref<128xi32, #tpu.memory_space<vmem>>
    %dma_start3A_27 = arith.constant 0 : i32
    %dma_start3A_28 = arith.constant 0 : i32
    %dma_start3A_29 = tpu.memref_slice %arg3[%dma_start3A_27, %dma_start3A_28] : memref<1000001x64xf32, #tpu.memory_space<hbm>> -> memref<1000001x64xf32, #tpu.memory_space<hbm>>
    %dma_start3A_30 = tpu.memref_slice %arg7[%dma_start3A_19] : memref<8x!tpu.dma_semaphore, #tpu.memory_space<semaphore_mem>> -> memref<1x!tpu.dma_semaphore, #tpu.memory_space<semaphore_mem>>
    %dma_start3A_31 = tpu.memref_squeeze %dma_start3A_30 : memref<1x!tpu.dma_semaphore, #tpu.memory_space<semaphore_mem>> -> memref<!tpu.dma_semaphore, #tpu.memory_space<semaphore_mem>>
    tpu.enqueue_indirect_dma source(%dma_start3A_29 : memref<1000001x64xf32, #tpu.memory_space<hbm>>) target(%dma_start3A_23 : memref<128x64xf32, #tpu.memory_space<vmem>>) offsets(%dma_start3A_26 : memref<128xi32, #tpu.memory_space<vmem>>) semaphore(%dma_start3A_31 : memref<!tpu.dma_semaphore, #tpu.memory_space<semaphore_mem>>)
    %dma_start3A_32 = arith.constant 2 : i32
    %dma_start3A_33 = arith.constant 2 : i32
    %dma_start3A_34 = arith.constant 2 : i32
    %dma_start3A_35 = arith.constant 0 : i32
    %dma_start3A_36 = arith.constant 0 : i32
    %dma_start3A_37 = tpu.memref_slice %arg6[%dma_start3A_33, %dma_start3A_35, %dma_start3A_36] : memref<8x128x64xf32, #tpu.memory_space<vmem>> -> memref<1x128x64xf32, #tpu.memory_space<vmem>>
    %dma_start3A_38 = tpu.memref_squeeze %dma_start3A_37 : memref<1x128x64xf32, #tpu.memory_space<vmem>> -> memref<128x64xf32, #tpu.memory_space<vmem>>
    %dma_start3A_39 = arith.constant 0 : i32
    %dma_start3A_40 = tpu.memref_slice %arg5[%dma_start3A_32, %dma_start3A_39] : memref<200x128xi32, #tpu.memory_space<vmem>> -> memref<1x128xi32, #tpu.memory_space<vmem>>
    %dma_start3A_41 = tpu.memref_squeeze %dma_start3A_40 : memref<1x128xi32, #tpu.memory_space<vmem>> -> memref<128xi32, #tpu.memory_space<vmem>>
    %dma_start3A_42 = arith.constant 0 : i32
    %dma_start3A_43 = arith.constant 0 : i32
    %dma_start3A_44 = tpu.memref_slice %arg3[%dma_start3A_42, %dma_start3A_43] : memref<1000001x64xf32, #tpu.memory_space<hbm>> -> memref<1000001x64xf32, #tpu.memory_space<hbm>>
    %dma_start3A_45 = tpu.memref_slice %arg7[%dma_start3A_34] : memref<8x!tpu.dma_semaphore, #tpu.memory_space<semaphore_mem>> -> memref<1x!tpu.dma_semaphore, #tpu.memory_space<semaphore_mem>>
    %dma_start3A_46 = tpu.memref_squeeze %dma_start3A_45 : memref<1x!tpu.dma_semaphore, #tpu.memory_space<semaphore_mem>> -> memref<!tpu.dma_semaphore, #tpu.memory_space<semaphore_mem>>
    tpu.enqueue_indirect_dma source(%dma_start3A_44 : memref<1000001x64xf32, #tpu.memory_space<hbm>>) target(%dma_start3A_38 : memref<128x64xf32, #tpu.memory_space<vmem>>) offsets(%dma_start3A_41 : memref<128xi32, #tpu.memory_space<vmem>>) semaphore(%dma_start3A_46 : memref<!tpu.dma_semaphore, #tpu.memory_space<semaphore_mem>>)
    %dma_start3A_47 = arith.constant 3 : i32
    %dma_start3A_48 = arith.constant 3 : i32
    %dma_start3A_49 = arith.constant 3 : i32
    %dma_start3A_50 = arith.constant 0 : i32
    %dma_start3A_51 = arith.constant 0 : i32
    %dma_start3A_52 = tpu.memref_slice %arg6[%dma_start3A_48, %dma_start3A_50, %dma_start3A_51] : memref<8x128x64xf32, #tpu.memory_space<vmem>> -> memref<1x128x64xf32, #tpu.memory_space<vmem>>
    %dma_start3A_53 = tpu.memref_squeeze %dma_start3A_52 : memref<1x128x64xf32, #tpu.memory_space<vmem>> -> memref<128x64xf32, #tpu.memory_space<vmem>>
    %dma_start3A_54 = arith.constant 0 : i32
    %dma_start3A_55 = tpu.memref_slice %arg5[%dma_start3A_47, %dma_start3A_54] : memref<200x128xi32, #tpu.memory_space<vmem>> -> memref<1x128xi32, #tpu.memory_space<vmem>>
    %dma_start3A_56 = tpu.memref_squeeze %dma_start3A_55 : memref<1x128xi32, #tpu.memory_space<vmem>> -> memref<128xi32, #tpu.memory_space<vmem>>
    %dma_start3A_57 = arith.constant 0 : i32
    %dma_start3A_58 = arith.constant 0 : i32
    %dma_start3A_59 = tpu.memref_slice %arg3[%dma_start3A_57, %dma_start3A_58] : memref<1000001x64xf32, #tpu.memory_space<hbm>> -> memref<1000001x64xf32, #tpu.memory_space<hbm>>
    %dma_start3A_60 = tpu.memref_slice %arg7[%dma_start3A_49] : memref<8x!tpu.dma_semaphore, #tpu.memory_space<semaphore_mem>> -> memref<1x!tpu.dma_semaphore, #tpu.memory_space<semaphore_mem>>
    %dma_start3A_61 = tpu.memref_squeeze %dma_start3A_60 : memref<1x!tpu.dma_semaphore, #tpu.memory_space<semaphore_mem>> -> memref<!tpu.dma_semaphore, #tpu.memory_space<semaphore_mem>>
    tpu.enqueue_indirect_dma source(%dma_start3A_59 : memref<1000001x64xf32, #tpu.memory_space<hbm>>) target(%dma_start3A_53 : memref<128x64xf32, #tpu.memory_space<vmem>>) offsets(%dma_start3A_56 : memref<128xi32, #tpu.memory_space<vmem>>) semaphore(%dma_start3A_61 : memref<!tpu.dma_semaphore, #tpu.memory_space<semaphore_mem>>)
    %dma_start3A_62 = arith.constant 4 : i32
    %dma_start3A_63 = arith.constant 4 : i32
    %dma_start3A_64 = arith.constant 4 : i32
    %dma_start3A_65 = arith.constant 0 : i32
    %dma_start3A_66 = arith.constant 0 : i32
    %dma_start3A_67 = tpu.memref_slice %arg6[%dma_start3A_63, %dma_start3A_65, %dma_start3A_66] : memref<8x128x64xf32, #tpu.memory_space<vmem>> -> memref<1x128x64xf32, #tpu.memory_space<vmem>>
    %dma_start3A_68 = tpu.memref_squeeze %dma_start3A_67 : memref<1x128x64xf32, #tpu.memory_space<vmem>> -> memref<128x64xf32, #tpu.memory_space<vmem>>
    %dma_start3A_69 = arith.constant 0 : i32
    %dma_start3A_70 = tpu.memref_slice %arg5[%dma_start3A_62, %dma_start3A_69] : memref<200x128xi32, #tpu.memory_space<vmem>> -> memref<1x128xi32, #tpu.memory_space<vmem>>
    %dma_start3A_71 = tpu.memref_squeeze %dma_start3A_70 : memref<1x128xi32, #tpu.memory_space<vmem>> -> memref<128xi32, #tpu.memory_space<vmem>>
    %dma_start3A_72 = arith.constant 0 : i32
    %dma_start3A_73 = arith.constant 0 : i32
    %dma_start3A_74 = tpu.memref_slice %arg3[%dma_start3A_72, %dma_start3A_73] : memref<1000001x64xf32, #tpu.memory_space<hbm>> -> memref<1000001x64xf32, #tpu.memory_space<hbm>>
    %dma_start3A_75 = tpu.memref_slice %arg7[%dma_start3A_64] : memref<8x!tpu.dma_semaphore, #tpu.memory_space<semaphore_mem>> -> memref<1x!tpu.dma_semaphore, #tpu.memory_space<semaphore_mem>>
    %dma_start3A_76 = tpu.memref_squeeze %dma_start3A_75 : memref<1x!tpu.dma_semaphore, #tpu.memory_space<semaphore_mem>> -> memref<!tpu.dma_semaphore, #tpu.memory_space<semaphore_mem>>
    tpu.enqueue_indirect_dma source(%dma_start3A_74 : memref<1000001x64xf32, #tpu.memory_space<hbm>>) target(%dma_start3A_68 : memref<128x64xf32, #tpu.memory_space<vmem>>) offsets(%dma_start3A_71 : memref<128xi32, #tpu.memory_space<vmem>>) semaphore(%dma_start3A_76 : memref<!tpu.dma_semaphore, #tpu.memory_space<semaphore_mem>>)
    %dma_start3A_77 = arith.constant 5 : i32
    %dma_start3A_78 = arith.constant 5 : i32
    %dma_start3A_79 = arith.constant 5 : i32
    %dma_start3A_80 = arith.constant 0 : i32
    %dma_start3A_81 = arith.constant 0 : i32
    %dma_start3A_82 = tpu.memref_slice %arg6[%dma_start3A_78, %dma_start3A_80, %dma_start3A_81] : memref<8x128x64xf32, #tpu.memory_space<vmem>> -> memref<1x128x64xf32, #tpu.memory_space<vmem>>
    %dma_start3A_83 = tpu.memref_squeeze %dma_start3A_82 : memref<1x128x64xf32, #tpu.memory_space<vmem>> -> memref<128x64xf32, #tpu.memory_space<vmem>>
    %dma_start3A_84 = arith.constant 0 : i32
    %dma_start3A_85 = tpu.memref_slice %arg5[%dma_start3A_77, %dma_start3A_84] : memref<200x128xi32, #tpu.memory_space<vmem>> -> memref<1x128xi32, #tpu.memory_space<vmem>>
    %dma_start3A_86 = tpu.memref_squeeze %dma_start3A_85 : memref<1x128xi32, #tpu.memory_space<vmem>> -> memref<128xi32, #tpu.memory_space<vmem>>
    %dma_start3A_87 = arith.constant 0 : i32
    %dma_start3A_88 = arith.constant 0 : i32
    %dma_start3A_89 = tpu.memref_slice %arg3[%dma_start3A_87, %dma_start3A_88] : memref<1000001x64xf32, #tpu.memory_space<hbm>> -> memref<1000001x64xf32, #tpu.memory_space<hbm>>
    %dma_start3A_90 = tpu.memref_slice %arg7[%dma_start3A_79] : memref<8x!tpu.dma_semaphore, #tpu.memory_space<semaphore_mem>> -> memref<1x!tpu.dma_semaphore, #tpu.memory_space<semaphore_mem>>
    %dma_start3A_91 = tpu.memref_squeeze %dma_start3A_90 : memref<1x!tpu.dma_semaphore, #tpu.memory_space<semaphore_mem>> -> memref<!tpu.dma_semaphore, #tpu.memory_space<semaphore_mem>>
    tpu.enqueue_indirect_dma source(%dma_start3A_89 : memref<1000001x64xf32, #tpu.memory_space<hbm>>) target(%dma_start3A_83 : memref<128x64xf32, #tpu.memory_space<vmem>>) offsets(%dma_start3A_86 : memref<128xi32, #tpu.memory_space<vmem>>) semaphore(%dma_start3A_91 : memref<!tpu.dma_semaphore, #tpu.memory_space<semaphore_mem>>)
    %dma_start3A_92 = arith.constant 6 : i32
    %dma_start3A_93 = arith.constant 6 : i32
    %dma_start3A_94 = arith.constant 6 : i32
    %dma_start3A_95 = arith.constant 0 : i32
    %dma_start3A_96 = arith.constant 0 : i32
    %dma_start3A_97 = tpu.memref_slice %arg6[%dma_start3A_93, %dma_start3A_95, %dma_start3A_96] : memref<8x128x64xf32, #tpu.memory_space<vmem>> -> memref<1x128x64xf32, #tpu.memory_space<vmem>>
    %dma_start3A_98 = tpu.memref_squeeze %dma_start3A_97 : memref<1x128x64xf32, #tpu.memory_space<vmem>> -> memref<128x64xf32, #tpu.memory_space<vmem>>
    %dma_start3A_99 = arith.constant 0 : i32
    %dma_start3A_100 = tpu.memref_slice %arg5[%dma_start3A_92, %dma_start3A_99] : memref<200x128xi32, #tpu.memory_space<vmem>> -> memref<1x128xi32, #tpu.memory_space<vmem>>
    %dma_start3A_101 = tpu.memref_squeeze %dma_start3A_100 : memref<1x128xi32, #tpu.memory_space<vmem>> -> memref<128xi32, #tpu.memory_space<vmem>>
    %dma_start3A_102 = arith.constant 0 : i32
    %dma_start3A_103 = arith.constant 0 : i32
    %dma_start3A_104 = tpu.memref_slice %arg3[%dma_start3A_102, %dma_start3A_103] : memref<1000001x64xf32, #tpu.memory_space<hbm>> -> memref<1000001x64xf32, #tpu.memory_space<hbm>>
    %dma_start3A_105 = tpu.memref_slice %arg7[%dma_start3A_94] : memref<8x!tpu.dma_semaphore, #tpu.memory_space<semaphore_mem>> -> memref<1x!tpu.dma_semaphore, #tpu.memory_space<semaphore_mem>>
    %dma_start3A_106 = tpu.memref_squeeze %dma_start3A_105 : memref<1x!tpu.dma_semaphore, #tpu.memory_space<semaphore_mem>> -> memref<!tpu.dma_semaphore, #tpu.memory_space<semaphore_mem>>
    tpu.enqueue_indirect_dma source(%dma_start3A_104 : memref<1000001x64xf32, #tpu.memory_space<hbm>>) target(%dma_start3A_98 : memref<128x64xf32, #tpu.memory_space<vmem>>) offsets(%dma_start3A_101 : memref<128xi32, #tpu.memory_space<vmem>>) semaphore(%dma_start3A_106 : memref<!tpu.dma_semaphore, #tpu.memory_space<semaphore_mem>>)
    %dma_start3A_107 = arith.constant 7 : i32
    %dma_start3A_108 = arith.constant 7 : i32
    %dma_start3A_109 = arith.constant 7 : i32
    %dma_start3A_110 = arith.constant 0 : i32
    %dma_start3A_111 = arith.constant 0 : i32
    %dma_start3A_112 = tpu.memref_slice %arg6[%dma_start3A_108, %dma_start3A_110, %dma_start3A_111] : memref<8x128x64xf32, #tpu.memory_space<vmem>> -> memref<1x128x64xf32, #tpu.memory_space<vmem>>
    %dma_start3A_113 = tpu.memref_squeeze %dma_start3A_112 : memref<1x128x64xf32, #tpu.memory_space<vmem>> -> memref<128x64xf32, #tpu.memory_space<vmem>>
    %dma_start3A_114 = arith.constant 0 : i32
    %dma_start3A_115 = tpu.memref_slice %arg5[%dma_start3A_107, %dma_start3A_114] : memref<200x128xi32, #tpu.memory_space<vmem>> -> memref<1x128xi32, #tpu.memory_space<vmem>>
    %dma_start3A_116 = tpu.memref_squeeze %dma_start3A_115 : memref<1x128xi32, #tpu.memory_space<vmem>> -> memref<128xi32, #tpu.memory_space<vmem>>
    %dma_start3A_117 = arith.constant 0 : i32
    %dma_start3A_118 = arith.constant 0 : i32
    %dma_start3A_119 = tpu.memref_slice %arg3[%dma_start3A_117, %dma_start3A_118] : memref<1000001x64xf32, #tpu.memory_space<hbm>> -> memref<1000001x64xf32, #tpu.memory_space<hbm>>
    %dma_start3A_120 = tpu.memref_slice %arg7[%dma_start3A_109] : memref<8x!tpu.dma_semaphore, #tpu.memory_space<semaphore_mem>> -> memref<1x!tpu.dma_semaphore, #tpu.memory_space<semaphore_mem>>
    %dma_start3A_121 = tpu.memref_squeeze %dma_start3A_120 : memref<1x!tpu.dma_semaphore, #tpu.memory_space<semaphore_mem>> -> memref<!tpu.dma_semaphore, #tpu.memory_space<semaphore_mem>>
    tpu.enqueue_indirect_dma source(%dma_start3A_119 : memref<1000001x64xf32, #tpu.memory_space<hbm>>) target(%dma_start3A_113 : memref<128x64xf32, #tpu.memory_space<vmem>>) offsets(%dma_start3A_116 : memref<128xi32, #tpu.memory_space<vmem>>) semaphore(%dma_start3A_121 : memref<!tpu.dma_semaphore, #tpu.memory_space<semaphore_mem>>)
    %scan3A = arith.constant 0 : i32
    %scan3A_122 = arith.constant 0 : i32
    %scan3A_123 = arith.constant 24 : i32
    %scan3A_124 = arith.addi %scan3A_122, %scan3A_123 : i32
    %scan3A_125 = arith.constant 1 : i32
    scf.for %scan3A_574 = %scan3A_122 to %scan3A_124 step %scan3A_125  : i32 {
      %dma_wait3A_575 = arith.constant 0 : i32
      %dma_wait3A_576 = arith.constant 0 : i32
      %dma_wait3A_577 = arith.constant 0 : i32
      %dma_wait3A_578 = arith.constant 0 : i32
      %dma_wait3A_579 = tpu.memref_slice %arg6[%dma_wait3A_575, %dma_wait3A_577, %dma_wait3A_578] : memref<8x128x64xf32, #tpu.memory_space<vmem>> -> memref<1x128x64xf32, #tpu.memory_space<vmem>>
      %dma_wait3A_580 = tpu.memref_squeeze %dma_wait3A_579 : memref<1x128x64xf32, #tpu.memory_space<vmem>> -> memref<128x64xf32, #tpu.memory_space<vmem>>
      %dma_wait3A_581 = arith.constant 0 : i32
      %dma_wait3A_582 = arith.constant 0 : i32
      %dma_wait3A_583 = tpu.memref_slice %arg3[%dma_wait3A_581, %dma_wait3A_582] : memref<1000001x64xf32, #tpu.memory_space<hbm>> -> memref<128x64xf32, #tpu.memory_space<hbm>>
      %dma_wait3A_584 = tpu.memref_slice %arg7[%dma_wait3A_576] : memref<8x!tpu.dma_semaphore, #tpu.memory_space<semaphore_mem>> -> memref<1x!tpu.dma_semaphore, #tpu.memory_space<semaphore_mem>>
      %dma_wait3A_585 = tpu.memref_squeeze %dma_wait3A_584 : memref<1x!tpu.dma_semaphore, #tpu.memory_space<semaphore_mem>> -> memref<!tpu.dma_semaphore, #tpu.memory_space<semaphore_mem>>
      %dma_wait3A_586 = arith.constant 0 : i32
      %dma_wait3A_587 = arith.constant 0 : i32
      %dma_wait3A_588 = tpu.memref_slice %arg6[%dma_wait3A_575, %dma_wait3A_586, %dma_wait3A_587] : memref<8x128x64xf32, #tpu.memory_space<vmem>> -> memref<1x128x64xf32, #tpu.memory_space<vmem>>
      %dma_wait3A_589 = tpu.memref_squeeze %dma_wait3A_588 : memref<1x128x64xf32, #tpu.memory_space<vmem>> -> memref<128x64xf32, #tpu.memory_space<vmem>>
      %dma_wait3A_590 = arith.constant 0 : i32
      %dma_wait3A_591 = arith.constant 0 : i32
      %dma_wait3A_592 = tpu.memref_slice %arg3[%dma_wait3A_590, %dma_wait3A_591] : memref<1000001x64xf32, #tpu.memory_space<hbm>> -> memref<128x64xf32, #tpu.memory_space<hbm>>
      tpu.wait_dma2 semaphore(%dma_wait3A_585 : memref<!tpu.dma_semaphore, #tpu.memory_space<semaphore_mem>>) src(%dma_wait3A_592 : memref<128x64xf32, #tpu.memory_space<hbm>>) dst(%dma_wait3A_589 : memref<128x64xf32, #tpu.memory_space<vmem>>)
      %mul3A_593 = arith.constant 8 : i32
      %mul3A_594 = arith.muli %scan3A_574, %mul3A_593 : i32
      %add3A_595 = arith.constant 0 : i32
      %add3A_596 = arith.addi %mul3A_594, %add3A_595 : i32
      %add3A_597 = arith.addi %mul3A_2, %add3A_596 : i32
      %mul3A_598 = arith.constant 128 : i32
      %mul3A_599 = arith.muli %add3A_597, %mul3A_598 : i32
      %dma_start3A_600 = arith.constant 0 : i32
      %dma_start3A_601 = arith.constant 0 : i32
      %dma_start3A_602 = arith.constant 0 : i32
      %dma_start3A_603 = arith.constant 0 : i32
      %dma_start3A_604 = tpu.memref_slice %arg6[%dma_start3A_600, %dma_start3A_602, %dma_start3A_603] : memref<8x128x64xf32, #tpu.memory_space<vmem>> -> memref<1x128x64xf32, #tpu.memory_space<vmem>>
      %dma_start3A_605 = tpu.memref_squeeze %dma_start3A_604 : memref<1x128x64xf32, #tpu.memory_space<vmem>> -> memref<128x64xf32, #tpu.memory_space<vmem>>
      %dma_start3A_606 = arith.constant 0 : i32
      %dma_start3A_607 = tpu.memref_slice %arg4[%mul3A_599, %dma_start3A_606] : memref<819200x128xf32, #tpu.memory_space<hbm>> -> memref<128x64xf32, #tpu.memory_space<hbm>>
      %dma_start3A_608 = tpu.memref_slice %arg8[%dma_start3A_601] : memref<8x!tpu.dma_semaphore, #tpu.memory_space<semaphore_mem>> -> memref<1x!tpu.dma_semaphore, #tpu.memory_space<semaphore_mem>>
      %dma_start3A_609 = tpu.memref_squeeze %dma_start3A_608 : memref<1x!tpu.dma_semaphore, #tpu.memory_space<semaphore_mem>> -> memref<!tpu.dma_semaphore, #tpu.memory_space<semaphore_mem>>
      %dma_start3A_610 = arith.constant 0 : i32
      %dma_start3A_611 = tpu.memref_slice %arg4[%mul3A_599, %dma_start3A_610] : memref<819200x128xf32, #tpu.memory_space<hbm>> -> memref<128x64xf32, #tpu.memory_space<hbm>>
      %dma_start3A_612 = arith.constant 0 : i32
      %dma_start3A_613 = arith.constant 0 : i32
      %dma_start3A_614 = tpu.memref_slice %arg6[%dma_start3A_600, %dma_start3A_612, %dma_start3A_613] : memref<8x128x64xf32, #tpu.memory_space<vmem>> -> memref<1x128x64xf32, #tpu.memory_space<vmem>>
      %dma_start3A_615 = tpu.memref_squeeze %dma_start3A_614 : memref<1x128x64xf32, #tpu.memory_space<vmem>> -> memref<128x64xf32, #tpu.memory_space<vmem>>
      tpu.enqueue_dma source(%dma_start3A_615 : memref<128x64xf32, #tpu.memory_space<vmem>>) target(%dma_start3A_611 : memref<128x64xf32, #tpu.memory_space<hbm>>) target_semaphore(%dma_start3A_609 : memref<!tpu.dma_semaphore, #tpu.memory_space<semaphore_mem>>)
      %dma_wait3A_616 = arith.constant 1 : i32
      %dma_wait3A_617 = arith.constant 1 : i32
      %dma_wait3A_618 = arith.constant 0 : i32
      %dma_wait3A_619 = arith.constant 0 : i32
      %dma_wait3A_620 = tpu.memref_slice %arg6[%dma_wait3A_616, %dma_wait3A_618, %dma_wait3A_619] : memref<8x128x64xf32, #tpu.memory_space<vmem>> -> memref<1x128x64xf32, #tpu.memory_space<vmem>>
      %dma_wait3A_621 = tpu.memref_squeeze %dma_wait3A_620 : memref<1x128x64xf32, #tpu.memory_space<vmem>> -> memref<128x64xf32, #tpu.memory_space<vmem>>
      %dma_wait3A_622 = arith.constant 0 : i32
      %dma_wait3A_623 = arith.constant 0 : i32
      %dma_wait3A_624 = tpu.memref_slice %arg3[%dma_wait3A_622, %dma_wait3A_623] : memref<1000001x64xf32, #tpu.memory_space<hbm>> -> memref<128x64xf32, #tpu.memory_space<hbm>>
      %dma_wait3A_625 = tpu.memref_slice %arg7[%dma_wait3A_617] : memref<8x!tpu.dma_semaphore, #tpu.memory_space<semaphore_mem>> -> memref<1x!tpu.dma_semaphore, #tpu.memory_space<semaphore_mem>>
      %dma_wait3A_626 = tpu.memref_squeeze %dma_wait3A_625 : memref<1x!tpu.dma_semaphore, #tpu.memory_space<semaphore_mem>> -> memref<!tpu.dma_semaphore, #tpu.memory_space<semaphore_mem>>
      %dma_wait3A_627 = arith.constant 0 : i32
      %dma_wait3A_628 = arith.constant 0 : i32
      %dma_wait3A_629 = tpu.memref_slice %arg6[%dma_wait3A_616, %dma_wait3A_627, %dma_wait3A_628] : memref<8x128x64xf32, #tpu.memory_space<vmem>> -> memref<1x128x64xf32, #tpu.memory_space<vmem>>
      %dma_wait3A_630 = tpu.memref_squeeze %dma_wait3A_629 : memref<1x128x64xf32, #tpu.memory_space<vmem>> -> memref<128x64xf32, #tpu.memory_space<vmem>>
      %dma_wait3A_631 = arith.constant 0 : i32
      %dma_wait3A_632 = arith.constant 0 : i32
      %dma_wait3A_633 = tpu.memref_slice %arg3[%dma_wait3A_631, %dma_wait3A_632] : memref<1000001x64xf32, #tpu.memory_space<hbm>> -> memref<128x64xf32, #tpu.memory_space<hbm>>
      tpu.wait_dma2 semaphore(%dma_wait3A_626 : memref<!tpu.dma_semaphore, #tpu.memory_space<semaphore_mem>>) src(%dma_wait3A_633 : memref<128x64xf32, #tpu.memory_space<hbm>>) dst(%dma_wait3A_630 : memref<128x64xf32, #tpu.memory_space<vmem>>)
      %mul3A_634 = arith.constant 8 : i32
      %mul3A_635 = arith.muli %scan3A_574, %mul3A_634 : i32
      %add3A_636 = arith.constant 1 : i32
      %add3A_637 = arith.addi %mul3A_635, %add3A_636 : i32
      %add3A_638 = arith.addi %mul3A_2, %add3A_637 : i32
      %mul3A_639 = arith.constant 128 : i32
      %mul3A_640 = arith.muli %add3A_638, %mul3A_639 : i32
      %dma_start3A_641 = arith.constant 1 : i32
      %dma_start3A_642 = arith.constant 1 : i32
      %dma_start3A_643 = arith.constant 0 : i32
      %dma_start3A_644 = arith.constant 0 : i32
      %dma_start3A_645 = tpu.memref_slice %arg6[%dma_start3A_641, %dma_start3A_643, %dma_start3A_644] : memref<8x128x64xf32, #tpu.memory_space<vmem>> -> memref<1x128x64xf32, #tpu.memory_space<vmem>>
      %dma_start3A_646 = tpu.memref_squeeze %dma_start3A_645 : memref<1x128x64xf32, #tpu.memory_space<vmem>> -> memref<128x64xf32, #tpu.memory_space<vmem>>
      %dma_start3A_647 = arith.constant 0 : i32
      %dma_start3A_648 = tpu.memref_slice %arg4[%mul3A_640, %dma_start3A_647] : memref<819200x128xf32, #tpu.memory_space<hbm>> -> memref<128x64xf32, #tpu.memory_space<hbm>>
      %dma_start3A_649 = tpu.memref_slice %arg8[%dma_start3A_642] : memref<8x!tpu.dma_semaphore, #tpu.memory_space<semaphore_mem>> -> memref<1x!tpu.dma_semaphore, #tpu.memory_space<semaphore_mem>>
      %dma_start3A_650 = tpu.memref_squeeze %dma_start3A_649 : memref<1x!tpu.dma_semaphore, #tpu.memory_space<semaphore_mem>> -> memref<!tpu.dma_semaphore, #tpu.memory_space<semaphore_mem>>
      %dma_start3A_651 = arith.constant 0 : i32
      %dma_start3A_652 = tpu.memref_slice %arg4[%mul3A_640, %dma_start3A_651] : memref<819200x128xf32, #tpu.memory_space<hbm>> -> memref<128x64xf32, #tpu.memory_space<hbm>>
      %dma_start3A_653 = arith.constant 0 : i32
      %dma_start3A_654 = arith.constant 0 : i32
      %dma_start3A_655 = tpu.memref_slice %arg6[%dma_start3A_641, %dma_start3A_653, %dma_start3A_654] : memref<8x128x64xf32, #tpu.memory_space<vmem>> -> memref<1x128x64xf32, #tpu.memory_space<vmem>>
      %dma_start3A_656 = tpu.memref_squeeze %dma_start3A_655 : memref<1x128x64xf32, #tpu.memory_space<vmem>> -> memref<128x64xf32, #tpu.memory_space<vmem>>
      tpu.enqueue_dma source(%dma_start3A_656 : memref<128x64xf32, #tpu.memory_space<vmem>>) target(%dma_start3A_652 : memref<128x64xf32, #tpu.memory_space<hbm>>) target_semaphore(%dma_start3A_650 : memref<!tpu.dma_semaphore, #tpu.memory_space<semaphore_mem>>)
      %dma_wait3A_657 = arith.constant 2 : i32
      %dma_wait3A_658 = arith.constant 2 : i32
      %dma_wait3A_659 = arith.constant 0 : i32
      %dma_wait3A_660 = arith.constant 0 : i32
      %dma_wait3A_661 = tpu.memref_slice %arg6[%dma_wait3A_657, %dma_wait3A_659, %dma_wait3A_660] : memref<8x128x64xf32, #tpu.memory_space<vmem>> -> memref<1x128x64xf32, #tpu.memory_space<vmem>>
      %dma_wait3A_662 = tpu.memref_squeeze %dma_wait3A_661 : memref<1x128x64xf32, #tpu.memory_space<vmem>> -> memref<128x64xf32, #tpu.memory_space<vmem>>
      %dma_wait3A_663 = arith.constant 0 : i32
      %dma_wait3A_664 = arith.constant 0 : i32
      %dma_wait3A_665 = tpu.memref_slice %arg3[%dma_wait3A_663, %dma_wait3A_664] : memref<1000001x64xf32, #tpu.memory_space<hbm>> -> memref<128x64xf32, #tpu.memory_space<hbm>>
      %dma_wait3A_666 = tpu.memref_slice %arg7[%dma_wait3A_658] : memref<8x!tpu.dma_semaphore, #tpu.memory_space<semaphore_mem>> -> memref<1x!tpu.dma_semaphore, #tpu.memory_space<semaphore_mem>>
      %dma_wait3A_667 = tpu.memref_squeeze %dma_wait3A_666 : memref<1x!tpu.dma_semaphore, #tpu.memory_space<semaphore_mem>> -> memref<!tpu.dma_semaphore, #tpu.memory_space<semaphore_mem>>
      %dma_wait3A_668 = arith.constant 0 : i32
      %dma_wait3A_669 = arith.constant 0 : i32
      %dma_wait3A_670 = tpu.memref_slice %arg6[%dma_wait3A_657, %dma_wait3A_668, %dma_wait3A_669] : memref<8x128x64xf32, #tpu.memory_space<vmem>> -> memref<1x128x64xf32, #tpu.memory_space<vmem>>
      %dma_wait3A_671 = tpu.memref_squeeze %dma_wait3A_670 : memref<1x128x64xf32, #tpu.memory_space<vmem>> -> memref<128x64xf32, #tpu.memory_space<vmem>>
      %dma_wait3A_672 = arith.constant 0 : i32
      %dma_wait3A_673 = arith.constant 0 : i32
      %dma_wait3A_674 = tpu.memref_slice %arg3[%dma_wait3A_672, %dma_wait3A_673] : memref<1000001x64xf32, #tpu.memory_space<hbm>> -> memref<128x64xf32, #tpu.memory_space<hbm>>
      tpu.wait_dma2 semaphore(%dma_wait3A_667 : memref<!tpu.dma_semaphore, #tpu.memory_space<semaphore_mem>>) src(%dma_wait3A_674 : memref<128x64xf32, #tpu.memory_space<hbm>>) dst(%dma_wait3A_671 : memref<128x64xf32, #tpu.memory_space<vmem>>)
      %mul3A_675 = arith.constant 8 : i32
      %mul3A_676 = arith.muli %scan3A_574, %mul3A_675 : i32
      %add3A_677 = arith.constant 2 : i32
      %add3A_678 = arith.addi %mul3A_676, %add3A_677 : i32
      %add3A_679 = arith.addi %mul3A_2, %add3A_678 : i32
      %mul3A_680 = arith.constant 128 : i32
      %mul3A_681 = arith.muli %add3A_679, %mul3A_680 : i32
      %dma_start3A_682 = arith.constant 2 : i32
      %dma_start3A_683 = arith.constant 2 : i32
      %dma_start3A_684 = arith.constant 0 : i32
      %dma_start3A_685 = arith.constant 0 : i32
      %dma_start3A_686 = tpu.memref_slice %arg6[%dma_start3A_682, %dma_start3A_684, %dma_start3A_685] : memref<8x128x64xf32, #tpu.memory_space<vmem>> -> memref<1x128x64xf32, #tpu.memory_space<vmem>>
      %dma_start3A_687 = tpu.memref_squeeze %dma_start3A_686 : memref<1x128x64xf32, #tpu.memory_space<vmem>> -> memref<128x64xf32, #tpu.memory_space<vmem>>
      %dma_start3A_688 = arith.constant 0 : i32
      %dma_start3A_689 = tpu.memref_slice %arg4[%mul3A_681, %dma_start3A_688] : memref<819200x128xf32, #tpu.memory_space<hbm>> -> memref<128x64xf32, #tpu.memory_space<hbm>>
      %dma_start3A_690 = tpu.memref_slice %arg8[%dma_start3A_683] : memref<8x!tpu.dma_semaphore, #tpu.memory_space<semaphore_mem>> -> memref<1x!tpu.dma_semaphore, #tpu.memory_space<semaphore_mem>>
      %dma_start3A_691 = tpu.memref_squeeze %dma_start3A_690 : memref<1x!tpu.dma_semaphore, #tpu.memory_space<semaphore_mem>> -> memref<!tpu.dma_semaphore, #tpu.memory_space<semaphore_mem>>
      %dma_start3A_692 = arith.constant 0 : i32
      %dma_start3A_693 = tpu.memref_slice %arg4[%mul3A_681, %dma_start3A_692] : memref<819200x128xf32, #tpu.memory_space<hbm>> -> memref<128x64xf32, #tpu.memory_space<hbm>>
      %dma_start3A_694 = arith.constant 0 : i32
      %dma_start3A_695 = arith.constant 0 : i32
      %dma_start3A_696 = tpu.memref_slice %arg6[%dma_start3A_682, %dma_start3A_694, %dma_start3A_695] : memref<8x128x64xf32, #tpu.memory_space<vmem>> -> memref<1x128x64xf32, #tpu.memory_space<vmem>>
      %dma_start3A_697 = tpu.memref_squeeze %dma_start3A_696 : memref<1x128x64xf32, #tpu.memory_space<vmem>> -> memref<128x64xf32, #tpu.memory_space<vmem>>
      tpu.enqueue_dma source(%dma_start3A_697 : memref<128x64xf32, #tpu.memory_space<vmem>>) target(%dma_start3A_693 : memref<128x64xf32, #tpu.memory_space<hbm>>) target_semaphore(%dma_start3A_691 : memref<!tpu.dma_semaphore, #tpu.memory_space<semaphore_mem>>)
      %dma_wait3A_698 = arith.constant 3 : i32
      %dma_wait3A_699 = arith.constant 3 : i32
      %dma_wait3A_700 = arith.constant 0 : i32
      %dma_wait3A_701 = arith.constant 0 : i32
      %dma_wait3A_702 = tpu.memref_slice %arg6[%dma_wait3A_698, %dma_wait3A_700, %dma_wait3A_701] : memref<8x128x64xf32, #tpu.memory_space<vmem>> -> memref<1x128x64xf32, #tpu.memory_space<vmem>>
      %dma_wait3A_703 = tpu.memref_squeeze %dma_wait3A_702 : memref<1x128x64xf32, #tpu.memory_space<vmem>> -> memref<128x64xf32, #tpu.memory_space<vmem>>
      %dma_wait3A_704 = arith.constant 0 : i32
      %dma_wait3A_705 = arith.constant 0 : i32
      %dma_wait3A_706 = tpu.memref_slice %arg3[%dma_wait3A_704, %dma_wait3A_705] : memref<1000001x64xf32, #tpu.memory_space<hbm>> -> memref<128x64xf32, #tpu.memory_space<hbm>>
      %dma_wait3A_707 = tpu.memref_slice %arg7[%dma_wait3A_699] : memref<8x!tpu.dma_semaphore, #tpu.memory_space<semaphore_mem>> -> memref<1x!tpu.dma_semaphore, #tpu.memory_space<semaphore_mem>>
      %dma_wait3A_708 = tpu.memref_squeeze %dma_wait3A_707 : memref<1x!tpu.dma_semaphore, #tpu.memory_space<semaphore_mem>> -> memref<!tpu.dma_semaphore, #tpu.memory_space<semaphore_mem>>
      %dma_wait3A_709 = arith.constant 0 : i32
      %dma_wait3A_710 = arith.constant 0 : i32
      %dma_wait3A_711 = tpu.memref_slice %arg6[%dma_wait3A_698, %dma_wait3A_709, %dma_wait3A_710] : memref<8x128x64xf32, #tpu.memory_space<vmem>> -> memref<1x128x64xf32, #tpu.memory_space<vmem>>
      %dma_wait3A_712 = tpu.memref_squeeze %dma_wait3A_711 : memref<1x128x64xf32, #tpu.memory_space<vmem>> -> memref<128x64xf32, #tpu.memory_space<vmem>>
      %dma_wait3A_713 = arith.constant 0 : i32
      %dma_wait3A_714 = arith.constant 0 : i32
      %dma_wait3A_715 = tpu.memref_slice %arg3[%dma_wait3A_713, %dma_wait3A_714] : memref<1000001x64xf32, #tpu.memory_space<hbm>> -> memref<128x64xf32, #tpu.memory_space<hbm>>
      tpu.wait_dma2 semaphore(%dma_wait3A_708 : memref<!tpu.dma_semaphore, #tpu.memory_space<semaphore_mem>>) src(%dma_wait3A_715 : memref<128x64xf32, #tpu.memory_space<hbm>>) dst(%dma_wait3A_712 : memref<128x64xf32, #tpu.memory_space<vmem>>)
      %mul3A_716 = arith.constant 8 : i32
      %mul3A_717 = arith.muli %scan3A_574, %mul3A_716 : i32
      %add3A_718 = arith.constant 3 : i32
      %add3A_719 = arith.addi %mul3A_717, %add3A_718 : i32
      %add3A_720 = arith.addi %mul3A_2, %add3A_719 : i32
      %mul3A_721 = arith.constant 128 : i32
      %mul3A_722 = arith.muli %add3A_720, %mul3A_721 : i32
      %dma_start3A_723 = arith.constant 3 : i32
      %dma_start3A_724 = arith.constant 3 : i32
      %dma_start3A_725 = arith.constant 0 : i32
      %dma_start3A_726 = arith.constant 0 : i32
      %dma_start3A_727 = tpu.memref_slice %arg6[%dma_start3A_723, %dma_start3A_725, %dma_start3A_726] : memref<8x128x64xf32, #tpu.memory_space<vmem>> -> memref<1x128x64xf32, #tpu.memory_space<vmem>>
      %dma_start3A_728 = tpu.memref_squeeze %dma_start3A_727 : memref<1x128x64xf32, #tpu.memory_space<vmem>> -> memref<128x64xf32, #tpu.memory_space<vmem>>
      %dma_start3A_729 = arith.constant 0 : i32
      %dma_start3A_730 = tpu.memref_slice %arg4[%mul3A_722, %dma_start3A_729] : memref<819200x128xf32, #tpu.memory_space<hbm>> -> memref<128x64xf32, #tpu.memory_space<hbm>>
      %dma_start3A_731 = tpu.memref_slice %arg8[%dma_start3A_724] : memref<8x!tpu.dma_semaphore, #tpu.memory_space<semaphore_mem>> -> memref<1x!tpu.dma_semaphore, #tpu.memory_space<semaphore_mem>>
      %dma_start3A_732 = tpu.memref_squeeze %dma_start3A_731 : memref<1x!tpu.dma_semaphore, #tpu.memory_space<semaphore_mem>> -> memref<!tpu.dma_semaphore, #tpu.memory_space<semaphore_mem>>
      %dma_start3A_733 = arith.constant 0 : i32
      %dma_start3A_734 = tpu.memref_slice %arg4[%mul3A_722, %dma_start3A_733] : memref<819200x128xf32, #tpu.memory_space<hbm>> -> memref<128x64xf32, #tpu.memory_space<hbm>>
      %dma_start3A_735 = arith.constant 0 : i32
      %dma_start3A_736 = arith.constant 0 : i32
      %dma_start3A_737 = tpu.memref_slice %arg6[%dma_start3A_723, %dma_start3A_735, %dma_start3A_736] : memref<8x128x64xf32, #tpu.memory_space<vmem>> -> memref<1x128x64xf32, #tpu.memory_space<vmem>>
      %dma_start3A_738 = tpu.memref_squeeze %dma_start3A_737 : memref<1x128x64xf32, #tpu.memory_space<vmem>> -> memref<128x64xf32, #tpu.memory_space<vmem>>
      tpu.enqueue_dma source(%dma_start3A_738 : memref<128x64xf32, #tpu.memory_space<vmem>>) target(%dma_start3A_734 : memref<128x64xf32, #tpu.memory_space<hbm>>) target_semaphore(%dma_start3A_732 : memref<!tpu.dma_semaphore, #tpu.memory_space<semaphore_mem>>)
      %dma_wait3A_739 = arith.constant 4 : i32
      %dma_wait3A_740 = arith.constant 4 : i32
      %dma_wait3A_741 = arith.constant 0 : i32
      %dma_wait3A_742 = arith.constant 0 : i32
      %dma_wait3A_743 = tpu.memref_slice %arg6[%dma_wait3A_739, %dma_wait3A_741, %dma_wait3A_742] : memref<8x128x64xf32, #tpu.memory_space<vmem>> -> memref<1x128x64xf32, #tpu.memory_space<vmem>>
      %dma_wait3A_744 = tpu.memref_squeeze %dma_wait3A_743 : memref<1x128x64xf32, #tpu.memory_space<vmem>> -> memref<128x64xf32, #tpu.memory_space<vmem>>
      %dma_wait3A_745 = arith.constant 0 : i32
      %dma_wait3A_746 = arith.constant 0 : i32
      %dma_wait3A_747 = tpu.memref_slice %arg3[%dma_wait3A_745, %dma_wait3A_746] : memref<1000001x64xf32, #tpu.memory_space<hbm>> -> memref<128x64xf32, #tpu.memory_space<hbm>>
      %dma_wait3A_748 = tpu.memref_slice %arg7[%dma_wait3A_740] : memref<8x!tpu.dma_semaphore, #tpu.memory_space<semaphore_mem>> -> memref<1x!tpu.dma_semaphore, #tpu.memory_space<semaphore_mem>>
      %dma_wait3A_749 = tpu.memref_squeeze %dma_wait3A_748 : memref<1x!tpu.dma_semaphore, #tpu.memory_space<semaphore_mem>> -> memref<!tpu.dma_semaphore, #tpu.memory_space<semaphore_mem>>
      %dma_wait3A_750 = arith.constant 0 : i32
      %dma_wait3A_751 = arith.constant 0 : i32
      %dma_wait3A_752 = tpu.memref_slice %arg6[%dma_wait3A_739, %dma_wait3A_750, %dma_wait3A_751] : memref<8x128x64xf32, #tpu.memory_space<vmem>> -> memref<1x128x64xf32, #tpu.memory_space<vmem>>
      %dma_wait3A_753 = tpu.memref_squeeze %dma_wait3A_752 : memref<1x128x64xf32, #tpu.memory_space<vmem>> -> memref<128x64xf32, #tpu.memory_space<vmem>>
      %dma_wait3A_754 = arith.constant 0 : i32
      %dma_wait3A_755 = arith.constant 0 : i32
      %dma_wait3A_756 = tpu.memref_slice %arg3[%dma_wait3A_754, %dma_wait3A_755] : memref<1000001x64xf32, #tpu.memory_space<hbm>> -> memref<128x64xf32, #tpu.memory_space<hbm>>
      tpu.wait_dma2 semaphore(%dma_wait3A_749 : memref<!tpu.dma_semaphore, #tpu.memory_space<semaphore_mem>>) src(%dma_wait3A_756 : memref<128x64xf32, #tpu.memory_space<hbm>>) dst(%dma_wait3A_753 : memref<128x64xf32, #tpu.memory_space<vmem>>)
      %mul3A_757 = arith.constant 8 : i32
      %mul3A_758 = arith.muli %scan3A_574, %mul3A_757 : i32
      %add3A_759 = arith.constant 4 : i32
      %add3A_760 = arith.addi %mul3A_758, %add3A_759 : i32
      %add3A_761 = arith.addi %mul3A_2, %add3A_760 : i32
      %mul3A_762 = arith.constant 128 : i32
      %mul3A_763 = arith.muli %add3A_761, %mul3A_762 : i32
      %dma_start3A_764 = arith.constant 4 : i32
      %dma_start3A_765 = arith.constant 4 : i32
      %dma_start3A_766 = arith.constant 0 : i32
      %dma_start3A_767 = arith.constant 0 : i32
      %dma_start3A_768 = tpu.memref_slice %arg6[%dma_start3A_764, %dma_start3A_766, %dma_start3A_767] : memref<8x128x64xf32, #tpu.memory_space<vmem>> -> memref<1x128x64xf32, #tpu.memory_space<vmem>>
      %dma_start3A_769 = tpu.memref_squeeze %dma_start3A_768 : memref<1x128x64xf32, #tpu.memory_space<vmem>> -> memref<128x64xf32, #tpu.memory_space<vmem>>
      %dma_start3A_770 = arith.constant 0 : i32
      %dma_start3A_771 = tpu.memref_slice %arg4[%mul3A_763, %dma_start3A_770] : memref<819200x128xf32, #tpu.memory_space<hbm>> -> memref<128x64xf32, #tpu.memory_space<hbm>>
      %dma_start3A_772 = tpu.memref_slice %arg8[%dma_start3A_765] : memref<8x!tpu.dma_semaphore, #tpu.memory_space<semaphore_mem>> -> memref<1x!tpu.dma_semaphore, #tpu.memory_space<semaphore_mem>>
      %dma_start3A_773 = tpu.memref_squeeze %dma_start3A_772 : memref<1x!tpu.dma_semaphore, #tpu.memory_space<semaphore_mem>> -> memref<!tpu.dma_semaphore, #tpu.memory_space<semaphore_mem>>
      %dma_start3A_774 = arith.constant 0 : i32
      %dma_start3A_775 = tpu.memref_slice %arg4[%mul3A_763, %dma_start3A_774] : memref<819200x128xf32, #tpu.memory_space<hbm>> -> memref<128x64xf32, #tpu.memory_space<hbm>>
      %dma_start3A_776 = arith.constant 0 : i32
      %dma_start3A_777 = arith.constant 0 : i32
      %dma_start3A_778 = tpu.memref_slice %arg6[%dma_start3A_764, %dma_start3A_776, %dma_start3A_777] : memref<8x128x64xf32, #tpu.memory_space<vmem>> -> memref<1x128x64xf32, #tpu.memory_space<vmem>>
      %dma_start3A_779 = tpu.memref_squeeze %dma_start3A_778 : memref<1x128x64xf32, #tpu.memory_space<vmem>> -> memref<128x64xf32, #tpu.memory_space<vmem>>
      tpu.enqueue_dma source(%dma_start3A_779 : memref<128x64xf32, #tpu.memory_space<vmem>>) target(%dma_start3A_775 : memref<128x64xf32, #tpu.memory_space<hbm>>) target_semaphore(%dma_start3A_773 : memref<!tpu.dma_semaphore, #tpu.memory_space<semaphore_mem>>)
      %dma_wait3A_780 = arith.constant 5 : i32
      %dma_wait3A_781 = arith.constant 5 : i32
      %dma_wait3A_782 = arith.constant 0 : i32
      %dma_wait3A_783 = arith.constant 0 : i32
      %dma_wait3A_784 = tpu.memref_slice %arg6[%dma_wait3A_780, %dma_wait3A_782, %dma_wait3A_783] : memref<8x128x64xf32, #tpu.memory_space<vmem>> -> memref<1x128x64xf32, #tpu.memory_space<vmem>>
      %dma_wait3A_785 = tpu.memref_squeeze %dma_wait3A_784 : memref<1x128x64xf32, #tpu.memory_space<vmem>> -> memref<128x64xf32, #tpu.memory_space<vmem>>
      %dma_wait3A_786 = arith.constant 0 : i32
      %dma_wait3A_787 = arith.constant 0 : i32
      %dma_wait3A_788 = tpu.memref_slice %arg3[%dma_wait3A_786, %dma_wait3A_787] : memref<1000001x64xf32, #tpu.memory_space<hbm>> -> memref<128x64xf32, #tpu.memory_space<hbm>>
      %dma_wait3A_789 = tpu.memref_slice %arg7[%dma_wait3A_781] : memref<8x!tpu.dma_semaphore, #tpu.memory_space<semaphore_mem>> -> memref<1x!tpu.dma_semaphore, #tpu.memory_space<semaphore_mem>>
      %dma_wait3A_790 = tpu.memref_squeeze %dma_wait3A_789 : memref<1x!tpu.dma_semaphore, #tpu.memory_space<semaphore_mem>> -> memref<!tpu.dma_semaphore, #tpu.memory_space<semaphore_mem>>
      %dma_wait3A_791 = arith.constant 0 : i32
      %dma_wait3A_792 = arith.constant 0 : i32
      %dma_wait3A_793 = tpu.memref_slice %arg6[%dma_wait3A_780, %dma_wait3A_791, %dma_wait3A_792] : memref<8x128x64xf32, #tpu.memory_space<vmem>> -> memref<1x128x64xf32, #tpu.memory_space<vmem>>
      %dma_wait3A_794 = tpu.memref_squeeze %dma_wait3A_793 : memref<1x128x64xf32, #tpu.memory_space<vmem>> -> memref<128x64xf32, #tpu.memory_space<vmem>>
      %dma_wait3A_795 = arith.constant 0 : i32
      %dma_wait3A_796 = arith.constant 0 : i32
      %dma_wait3A_797 = tpu.memref_slice %arg3[%dma_wait3A_795, %dma_wait3A_796] : memref<1000001x64xf32, #tpu.memory_space<hbm>> -> memref<128x64xf32, #tpu.memory_space<hbm>>
      tpu.wait_dma2 semaphore(%dma_wait3A_790 : memref<!tpu.dma_semaphore, #tpu.memory_space<semaphore_mem>>) src(%dma_wait3A_797 : memref<128x64xf32, #tpu.memory_space<hbm>>) dst(%dma_wait3A_794 : memref<128x64xf32, #tpu.memory_space<vmem>>)
      %mul3A_798 = arith.constant 8 : i32
      %mul3A_799 = arith.muli %scan3A_574, %mul3A_798 : i32
      %add3A_800 = arith.constant 5 : i32
      %add3A_801 = arith.addi %mul3A_799, %add3A_800 : i32
      %add3A_802 = arith.addi %mul3A_2, %add3A_801 : i32
      %mul3A_803 = arith.constant 128 : i32
      %mul3A_804 = arith.muli %add3A_802, %mul3A_803 : i32
      %dma_start3A_805 = arith.constant 5 : i32
      %dma_start3A_806 = arith.constant 5 : i32
      %dma_start3A_807 = arith.constant 0 : i32
      %dma_start3A_808 = arith.constant 0 : i32
      %dma_start3A_809 = tpu.memref_slice %arg6[%dma_start3A_805, %dma_start3A_807, %dma_start3A_808] : memref<8x128x64xf32, #tpu.memory_space<vmem>> -> memref<1x128x64xf32, #tpu.memory_space<vmem>>
      %dma_start3A_810 = tpu.memref_squeeze %dma_start3A_809 : memref<1x128x64xf32, #tpu.memory_space<vmem>> -> memref<128x64xf32, #tpu.memory_space<vmem>>
      %dma_start3A_811 = arith.constant 0 : i32
      %dma_start3A_812 = tpu.memref_slice %arg4[%mul3A_804, %dma_start3A_811] : memref<819200x128xf32, #tpu.memory_space<hbm>> -> memref<128x64xf32, #tpu.memory_space<hbm>>
      %dma_start3A_813 = tpu.memref_slice %arg8[%dma_start3A_806] : memref<8x!tpu.dma_semaphore, #tpu.memory_space<semaphore_mem>> -> memref<1x!tpu.dma_semaphore, #tpu.memory_space<semaphore_mem>>
      %dma_start3A_814 = tpu.memref_squeeze %dma_start3A_813 : memref<1x!tpu.dma_semaphore, #tpu.memory_space<semaphore_mem>> -> memref<!tpu.dma_semaphore, #tpu.memory_space<semaphore_mem>>
      %dma_start3A_815 = arith.constant 0 : i32
      %dma_start3A_816 = tpu.memref_slice %arg4[%mul3A_804, %dma_start3A_815] : memref<819200x128xf32, #tpu.memory_space<hbm>> -> memref<128x64xf32, #tpu.memory_space<hbm>>
      %dma_start3A_817 = arith.constant 0 : i32
      %dma_start3A_818 = arith.constant 0 : i32
      %dma_start3A_819 = tpu.memref_slice %arg6[%dma_start3A_805, %dma_start3A_817, %dma_start3A_818] : memref<8x128x64xf32, #tpu.memory_space<vmem>> -> memref<1x128x64xf32, #tpu.memory_space<vmem>>
      %dma_start3A_820 = tpu.memref_squeeze %dma_start3A_819 : memref<1x128x64xf32, #tpu.memory_space<vmem>> -> memref<128x64xf32, #tpu.memory_space<vmem>>
      tpu.enqueue_dma source(%dma_start3A_820 : memref<128x64xf32, #tpu.memory_space<vmem>>) target(%dma_start3A_816 : memref<128x64xf32, #tpu.memory_space<hbm>>) target_semaphore(%dma_start3A_814 : memref<!tpu.dma_semaphore, #tpu.memory_space<semaphore_mem>>)
      %dma_wait3A_821 = arith.constant 6 : i32
      %dma_wait3A_822 = arith.constant 6 : i32
      %dma_wait3A_823 = arith.constant 0 : i32
      %dma_wait3A_824 = arith.constant 0 : i32
      %dma_wait3A_825 = tpu.memref_slice %arg6[%dma_wait3A_821, %dma_wait3A_823, %dma_wait3A_824] : memref<8x128x64xf32, #tpu.memory_space<vmem>> -> memref<1x128x64xf32, #tpu.memory_space<vmem>>
      %dma_wait3A_826 = tpu.memref_squeeze %dma_wait3A_825 : memref<1x128x64xf32, #tpu.memory_space<vmem>> -> memref<128x64xf32, #tpu.memory_space<vmem>>
      %dma_wait3A_827 = arith.constant 0 : i32
      %dma_wait3A_828 = arith.constant 0 : i32
      %dma_wait3A_829 = tpu.memref_slice %arg3[%dma_wait3A_827, %dma_wait3A_828] : memref<1000001x64xf32, #tpu.memory_space<hbm>> -> memref<128x64xf32, #tpu.memory_space<hbm>>
      %dma_wait3A_830 = tpu.memref_slice %arg7[%dma_wait3A_822] : memref<8x!tpu.dma_semaphore, #tpu.memory_space<semaphore_mem>> -> memref<1x!tpu.dma_semaphore, #tpu.memory_space<semaphore_mem>>
      %dma_wait3A_831 = tpu.memref_squeeze %dma_wait3A_830 : memref<1x!tpu.dma_semaphore, #tpu.memory_space<semaphore_mem>> -> memref<!tpu.dma_semaphore, #tpu.memory_space<semaphore_mem>>
      %dma_wait3A_832 = arith.constant 0 : i32
      %dma_wait3A_833 = arith.constant 0 : i32
      %dma_wait3A_834 = tpu.memref_slice %arg6[%dma_wait3A_821, %dma_wait3A_832, %dma_wait3A_833] : memref<8x128x64xf32, #tpu.memory_space<vmem>> -> memref<1x128x64xf32, #tpu.memory_space<vmem>>
      %dma_wait3A_835 = tpu.memref_squeeze %dma_wait3A_834 : memref<1x128x64xf32, #tpu.memory_space<vmem>> -> memref<128x64xf32, #tpu.memory_space<vmem>>
      %dma_wait3A_836 = arith.constant 0 : i32
      %dma_wait3A_837 = arith.constant 0 : i32
      %dma_wait3A_838 = tpu.memref_slice %arg3[%dma_wait3A_836, %dma_wait3A_837] : memref<1000001x64xf32, #tpu.memory_space<hbm>> -> memref<128x64xf32, #tpu.memory_space<hbm>>
      tpu.wait_dma2 semaphore(%dma_wait3A_831 : memref<!tpu.dma_semaphore, #tpu.memory_space<semaphore_mem>>) src(%dma_wait3A_838 : memref<128x64xf32, #tpu.memory_space<hbm>>) dst(%dma_wait3A_835 : memref<128x64xf32, #tpu.memory_space<vmem>>)
      %mul3A_839 = arith.constant 8 : i32
      %mul3A_840 = arith.muli %scan3A_574, %mul3A_839 : i32
      %add3A_841 = arith.constant 6 : i32
      %add3A_842 = arith.addi %mul3A_840, %add3A_841 : i32
      %add3A_843 = arith.addi %mul3A_2, %add3A_842 : i32
      %mul3A_844 = arith.constant 128 : i32
      %mul3A_845 = arith.muli %add3A_843, %mul3A_844 : i32
      %dma_start3A_846 = arith.constant 6 : i32
      %dma_start3A_847 = arith.constant 6 : i32
      %dma_start3A_848 = arith.constant 0 : i32
      %dma_start3A_849 = arith.constant 0 : i32
      %dma_start3A_850 = tpu.memref_slice %arg6[%dma_start3A_846, %dma_start3A_848, %dma_start3A_849] : memref<8x128x64xf32, #tpu.memory_space<vmem>> -> memref<1x128x64xf32, #tpu.memory_space<vmem>>
      %dma_start3A_851 = tpu.memref_squeeze %dma_start3A_850 : memref<1x128x64xf32, #tpu.memory_space<vmem>> -> memref<128x64xf32, #tpu.memory_space<vmem>>
      %dma_start3A_852 = arith.constant 0 : i32
      %dma_start3A_853 = tpu.memref_slice %arg4[%mul3A_845, %dma_start3A_852] : memref<819200x128xf32, #tpu.memory_space<hbm>> -> memref<128x64xf32, #tpu.memory_space<hbm>>
      %dma_start3A_854 = tpu.memref_slice %arg8[%dma_start3A_847] : memref<8x!tpu.dma_semaphore, #tpu.memory_space<semaphore_mem>> -> memref<1x!tpu.dma_semaphore, #tpu.memory_space<semaphore_mem>>
      %dma_start3A_855 = tpu.memref_squeeze %dma_start3A_854 : memref<1x!tpu.dma_semaphore, #tpu.memory_space<semaphore_mem>> -> memref<!tpu.dma_semaphore, #tpu.memory_space<semaphore_mem>>
      %dma_start3A_856 = arith.constant 0 : i32
      %dma_start3A_857 = tpu.memref_slice %arg4[%mul3A_845, %dma_start3A_856] : memref<819200x128xf32, #tpu.memory_space<hbm>> -> memref<128x64xf32, #tpu.memory_space<hbm>>
      %dma_start3A_858 = arith.constant 0 : i32
      %dma_start3A_859 = arith.constant 0 : i32
      %dma_start3A_860 = tpu.memref_slice %arg6[%dma_start3A_846, %dma_start3A_858, %dma_start3A_859] : memref<8x128x64xf32, #tpu.memory_space<vmem>> -> memref<1x128x64xf32, #tpu.memory_space<vmem>>
      %dma_start3A_861 = tpu.memref_squeeze %dma_start3A_860 : memref<1x128x64xf32, #tpu.memory_space<vmem>> -> memref<128x64xf32, #tpu.memory_space<vmem>>
      tpu.enqueue_dma source(%dma_start3A_861 : memref<128x64xf32, #tpu.memory_space<vmem>>) target(%dma_start3A_857 : memref<128x64xf32, #tpu.memory_space<hbm>>) target_semaphore(%dma_start3A_855 : memref<!tpu.dma_semaphore, #tpu.memory_space<semaphore_mem>>)
      %dma_wait3A_862 = arith.constant 7 : i32
      %dma_wait3A_863 = arith.constant 7 : i32
      %dma_wait3A_864 = arith.constant 0 : i32
      %dma_wait3A_865 = arith.constant 0 : i32
      %dma_wait3A_866 = tpu.memref_slice %arg6[%dma_wait3A_862, %dma_wait3A_864, %dma_wait3A_865] : memref<8x128x64xf32, #tpu.memory_space<vmem>> -> memref<1x128x64xf32, #tpu.memory_space<vmem>>
      %dma_wait3A_867 = tpu.memref_squeeze %dma_wait3A_866 : memref<1x128x64xf32, #tpu.memory_space<vmem>> -> memref<128x64xf32, #tpu.memory_space<vmem>>
      %dma_wait3A_868 = arith.constant 0 : i32
      %dma_wait3A_869 = arith.constant 0 : i32
      %dma_wait3A_870 = tpu.memref_slice %arg3[%dma_wait3A_868, %dma_wait3A_869] : memref<1000001x64xf32, #tpu.memory_space<hbm>> -> memref<128x64xf32, #tpu.memory_space<hbm>>
      %dma_wait3A_871 = tpu.memref_slice %arg7[%dma_wait3A_863] : memref<8x!tpu.dma_semaphore, #tpu.memory_space<semaphore_mem>> -> memref<1x!tpu.dma_semaphore, #tpu.memory_space<semaphore_mem>>
      %dma_wait3A_872 = tpu.memref_squeeze %dma_wait3A_871 : memref<1x!tpu.dma_semaphore, #tpu.memory_space<semaphore_mem>> -> memref<!tpu.dma_semaphore, #tpu.memory_space<semaphore_mem>>
      %dma_wait3A_873 = arith.constant 0 : i32
      %dma_wait3A_874 = arith.constant 0 : i32
      %dma_wait3A_875 = tpu.memref_slice %arg6[%dma_wait3A_862, %dma_wait3A_873, %dma_wait3A_874] : memref<8x128x64xf32, #tpu.memory_space<vmem>> -> memref<1x128x64xf32, #tpu.memory_space<vmem>>
      %dma_wait3A_876 = tpu.memref_squeeze %dma_wait3A_875 : memref<1x128x64xf32, #tpu.memory_space<vmem>> -> memref<128x64xf32, #tpu.memory_space<vmem>>
      %dma_wait3A_877 = arith.constant 0 : i32
      %dma_wait3A_878 = arith.constant 0 : i32
      %dma_wait3A_879 = tpu.memref_slice %arg3[%dma_wait3A_877, %dma_wait3A_878] : memref<1000001x64xf32, #tpu.memory_space<hbm>> -> memref<128x64xf32, #tpu.memory_space<hbm>>
      tpu.wait_dma2 semaphore(%dma_wait3A_872 : memref<!tpu.dma_semaphore, #tpu.memory_space<semaphore_mem>>) src(%dma_wait3A_879 : memref<128x64xf32, #tpu.memory_space<hbm>>) dst(%dma_wait3A_876 : memref<128x64xf32, #tpu.memory_space<vmem>>)
      %mul3A_880 = arith.constant 8 : i32
      %mul3A_881 = arith.muli %scan3A_574, %mul3A_880 : i32
      %add3A_882 = arith.constant 7 : i32
      %add3A_883 = arith.addi %mul3A_881, %add3A_882 : i32
      %add3A_884 = arith.addi %mul3A_2, %add3A_883 : i32
      %mul3A_885 = arith.constant 128 : i32
      %mul3A_886 = arith.muli %add3A_884, %mul3A_885 : i32
      %dma_start3A_887 = arith.constant 7 : i32
      %dma_start3A_888 = arith.constant 7 : i32
      %dma_start3A_889 = arith.constant 0 : i32
      %dma_start3A_890 = arith.constant 0 : i32
      %dma_start3A_891 = tpu.memref_slice %arg6[%dma_start3A_887, %dma_start3A_889, %dma_start3A_890] : memref<8x128x64xf32, #tpu.memory_space<vmem>> -> memref<1x128x64xf32, #tpu.memory_space<vmem>>
      %dma_start3A_892 = tpu.memref_squeeze %dma_start3A_891 : memref<1x128x64xf32, #tpu.memory_space<vmem>> -> memref<128x64xf32, #tpu.memory_space<vmem>>
      %dma_start3A_893 = arith.constant 0 : i32
      %dma_start3A_894 = tpu.memref_slice %arg4[%mul3A_886, %dma_start3A_893] : memref<819200x128xf32, #tpu.memory_space<hbm>> -> memref<128x64xf32, #tpu.memory_space<hbm>>
      %dma_start3A_895 = tpu.memref_slice %arg8[%dma_start3A_888] : memref<8x!tpu.dma_semaphore, #tpu.memory_space<semaphore_mem>> -> memref<1x!tpu.dma_semaphore, #tpu.memory_space<semaphore_mem>>
      %dma_start3A_896 = tpu.memref_squeeze %dma_start3A_895 : memref<1x!tpu.dma_semaphore, #tpu.memory_space<semaphore_mem>> -> memref<!tpu.dma_semaphore, #tpu.memory_space<semaphore_mem>>
      %dma_start3A_897 = arith.constant 0 : i32
      %dma_start3A_898 = tpu.memref_slice %arg4[%mul3A_886, %dma_start3A_897] : memref<819200x128xf32, #tpu.memory_space<hbm>> -> memref<128x64xf32, #tpu.memory_space<hbm>>
      %dma_start3A_899 = arith.constant 0 : i32
      %dma_start3A_900 = arith.constant 0 : i32
      %dma_start3A_901 = tpu.memref_slice %arg6[%dma_start3A_887, %dma_start3A_899, %dma_start3A_900] : memref<8x128x64xf32, #tpu.memory_space<vmem>> -> memref<1x128x64xf32, #tpu.memory_space<vmem>>
      %dma_start3A_902 = tpu.memref_squeeze %dma_start3A_901 : memref<1x128x64xf32, #tpu.memory_space<vmem>> -> memref<128x64xf32, #tpu.memory_space<vmem>>
      tpu.enqueue_dma source(%dma_start3A_902 : memref<128x64xf32, #tpu.memory_space<vmem>>) target(%dma_start3A_898 : memref<128x64xf32, #tpu.memory_space<hbm>>) target_semaphore(%dma_start3A_896 : memref<!tpu.dma_semaphore, #tpu.memory_space<semaphore_mem>>)
      %dma_wait3A_903 = arith.constant 0 : i32
      %dma_wait3A_904 = arith.constant 0 : i32
      %dma_wait3A_905 = arith.constant 0 : i32
      %dma_wait3A_906 = arith.constant 0 : i32
      %dma_wait3A_907 = tpu.memref_slice %arg6[%dma_wait3A_903, %dma_wait3A_905, %dma_wait3A_906] : memref<8x128x64xf32, #tpu.memory_space<vmem>> -> memref<1x128x64xf32, #tpu.memory_space<vmem>>
      %dma_wait3A_908 = tpu.memref_squeeze %dma_wait3A_907 : memref<1x128x64xf32, #tpu.memory_space<vmem>> -> memref<128x64xf32, #tpu.memory_space<vmem>>
      %dma_wait3A_909 = arith.constant 0 : i32
      %dma_wait3A_910 = arith.constant 0 : i32
      %dma_wait3A_911 = tpu.memref_slice %arg4[%dma_wait3A_909, %dma_wait3A_910] : memref<819200x128xf32, #tpu.memory_space<hbm>> -> memref<128x64xf32, #tpu.memory_space<hbm>>
      %dma_wait3A_912 = tpu.memref_slice %arg8[%dma_wait3A_904] : memref<8x!tpu.dma_semaphore, #tpu.memory_space<semaphore_mem>> -> memref<1x!tpu.dma_semaphore, #tpu.memory_space<semaphore_mem>>
      %dma_wait3A_913 = tpu.memref_squeeze %dma_wait3A_912 : memref<1x!tpu.dma_semaphore, #tpu.memory_space<semaphore_mem>> -> memref<!tpu.dma_semaphore, #tpu.memory_space<semaphore_mem>>
      %dma_wait3A_914 = arith.constant 0 : i32
      %dma_wait3A_915 = arith.constant 0 : i32
      %dma_wait3A_916 = tpu.memref_slice %arg4[%dma_wait3A_914, %dma_wait3A_915] : memref<819200x128xf32, #tpu.memory_space<hbm>> -> memref<128x64xf32, #tpu.memory_space<hbm>>
      %dma_wait3A_917 = arith.constant 0 : i32
      %dma_wait3A_918 = arith.constant 0 : i32
      %dma_wait3A_919 = tpu.memref_slice %arg6[%dma_wait3A_903, %dma_wait3A_917, %dma_wait3A_918] : memref<8x128x64xf32, #tpu.memory_space<vmem>> -> memref<1x128x64xf32, #tpu.memory_space<vmem>>
      %dma_wait3A_920 = tpu.memref_squeeze %dma_wait3A_919 : memref<1x128x64xf32, #tpu.memory_space<vmem>> -> memref<128x64xf32, #tpu.memory_space<vmem>>
      tpu.wait_dma2 semaphore(%dma_wait3A_913 : memref<!tpu.dma_semaphore, #tpu.memory_space<semaphore_mem>>) src(%dma_wait3A_920 : memref<128x64xf32, #tpu.memory_space<vmem>>) dst(%dma_wait3A_916 : memref<128x64xf32, #tpu.memory_space<hbm>>)
      %add3A_921 = arith.constant 1 : i32
      %add3A_922 = arith.addi %scan3A_574, %add3A_921 : i32
      %mul3A_923 = arith.constant 8 : i32
      %mul3A_924 = arith.muli %add3A_922, %mul3A_923 : i32
      %add3A_925 = arith.constant 0 : i32
      %add3A_926 = arith.addi %mul3A_924, %add3A_925 : i32
      %dma_start3A_927 = arith.constant 0 : i32
      %dma_start3A_928 = arith.constant 0 : i32
      %dma_start3A_929 = arith.constant 0 : i32
      %dma_start3A_930 = arith.constant 0 : i32
      %dma_start3A_931 = tpu.memref_slice %arg6[%dma_start3A_927, %dma_start3A_929, %dma_start3A_930] : memref<8x128x64xf32, #tpu.memory_space<vmem>> -> memref<1x128x64xf32, #tpu.memory_space<vmem>>
      %dma_start3A_932 = tpu.memref_squeeze %dma_start3A_931 : memref<1x128x64xf32, #tpu.memory_space<vmem>> -> memref<128x64xf32, #tpu.memory_space<vmem>>
      %dma_start3A_933 = arith.constant 0 : i32
      %dma_start3A_934 = tpu.memref_slice %arg5[%add3A_926, %dma_start3A_933] : memref<200x128xi32, #tpu.memory_space<vmem>> -> memref<1x128xi32, #tpu.memory_space<vmem>>
      %dma_start3A_935 = tpu.memref_squeeze %dma_start3A_934 : memref<1x128xi32, #tpu.memory_space<vmem>> -> memref<128xi32, #tpu.memory_space<vmem>>
      %dma_start3A_936 = arith.constant 0 : i32
      %dma_start3A_937 = arith.constant 0 : i32
      %dma_start3A_938 = tpu.memref_slice %arg3[%dma_start3A_936, %dma_start3A_937] : memref<1000001x64xf32, #tpu.memory_space<hbm>> -> memref<1000001x64xf32, #tpu.memory_space<hbm>>
      %dma_start3A_939 = tpu.memref_slice %arg7[%dma_start3A_928] : memref<8x!tpu.dma_semaphore, #tpu.memory_space<semaphore_mem>> -> memref<1x!tpu.dma_semaphore, #tpu.memory_space<semaphore_mem>>
      %dma_start3A_940 = tpu.memref_squeeze %dma_start3A_939 : memref<1x!tpu.dma_semaphore, #tpu.memory_space<semaphore_mem>> -> memref<!tpu.dma_semaphore, #tpu.memory_space<semaphore_mem>>
      tpu.enqueue_indirect_dma source(%dma_start3A_938 : memref<1000001x64xf32, #tpu.memory_space<hbm>>) target(%dma_start3A_932 : memref<128x64xf32, #tpu.memory_space<vmem>>) offsets(%dma_start3A_935 : memref<128xi32, #tpu.memory_space<vmem>>) semaphore(%dma_start3A_940 : memref<!tpu.dma_semaphore, #tpu.memory_space<semaphore_mem>>)
      %dma_wait3A_941 = arith.constant 1 : i32
      %dma_wait3A_942 = arith.constant 1 : i32
      %dma_wait3A_943 = arith.constant 0 : i32
      %dma_wait3A_944 = arith.constant 0 : i32
      %dma_wait3A_945 = tpu.memref_slice %arg6[%dma_wait3A_941, %dma_wait3A_943, %dma_wait3A_944] : memref<8x128x64xf32, #tpu.memory_space<vmem>> -> memref<1x128x64xf32, #tpu.memory_space<vmem>>
      %dma_wait3A_946 = tpu.memref_squeeze %dma_wait3A_945 : memref<1x128x64xf32, #tpu.memory_space<vmem>> -> memref<128x64xf32, #tpu.memory_space<vmem>>
      %dma_wait3A_947 = arith.constant 0 : i32
      %dma_wait3A_948 = arith.constant 0 : i32
      %dma_wait3A_949 = tpu.memref_slice %arg4[%dma_wait3A_947, %dma_wait3A_948] : memref<819200x128xf32, #tpu.memory_space<hbm>> -> memref<128x64xf32, #tpu.memory_space<hbm>>
      %dma_wait3A_950 = tpu.memref_slice %arg8[%dma_wait3A_942] : memref<8x!tpu.dma_semaphore, #tpu.memory_space<semaphore_mem>> -> memref<1x!tpu.dma_semaphore, #tpu.memory_space<semaphore_mem>>
      %dma_wait3A_951 = tpu.memref_squeeze %dma_wait3A_950 : memref<1x!tpu.dma_semaphore, #tpu.memory_space<semaphore_mem>> -> memref<!tpu.dma_semaphore, #tpu.memory_space<semaphore_mem>>
      %dma_wait3A_952 = arith.constant 0 : i32
      %dma_wait3A_953 = arith.constant 0 : i32
      %dma_wait3A_954 = tpu.memref_slice %arg4[%dma_wait3A_952, %dma_wait3A_953] : memref<819200x128xf32, #tpu.memory_space<hbm>> -> memref<128x64xf32, #tpu.memory_space<hbm>>
      %dma_wait3A_955 = arith.constant 0 : i32
      %dma_wait3A_956 = arith.constant 0 : i32
      %dma_wait3A_957 = tpu.memref_slice %arg6[%dma_wait3A_941, %dma_wait3A_955, %dma_wait3A_956] : memref<8x128x64xf32, #tpu.memory_space<vmem>> -> memref<1x128x64xf32, #tpu.memory_space<vmem>>
      %dma_wait3A_958 = tpu.memref_squeeze %dma_wait3A_957 : memref<1x128x64xf32, #tpu.memory_space<vmem>> -> memref<128x64xf32, #tpu.memory_space<vmem>>
      tpu.wait_dma2 semaphore(%dma_wait3A_951 : memref<!tpu.dma_semaphore, #tpu.memory_space<semaphore_mem>>) src(%dma_wait3A_958 : memref<128x64xf32, #tpu.memory_space<vmem>>) dst(%dma_wait3A_954 : memref<128x64xf32, #tpu.memory_space<hbm>>)
      %add3A_959 = arith.constant 1 : i32
      %add3A_960 = arith.addi %scan3A_574, %add3A_959 : i32
      %mul3A_961 = arith.constant 8 : i32
      %mul3A_962 = arith.muli %add3A_960, %mul3A_961 : i32
      %add3A_963 = arith.constant 1 : i32
      %add3A_964 = arith.addi %mul3A_962, %add3A_963 : i32
      %dma_start3A_965 = arith.constant 1 : i32
      %dma_start3A_966 = arith.constant 1 : i32
      %dma_start3A_967 = arith.constant 0 : i32
      %dma_start3A_968 = arith.constant 0 : i32
      %dma_start3A_969 = tpu.memref_slice %arg6[%dma_start3A_965, %dma_start3A_967, %dma_start3A_968] : memref<8x128x64xf32, #tpu.memory_space<vmem>> -> memref<1x128x64xf32, #tpu.memory_space<vmem>>
      %dma_start3A_970 = tpu.memref_squeeze %dma_start3A_969 : memref<1x128x64xf32, #tpu.memory_space<vmem>> -> memref<128x64xf32, #tpu.memory_space<vmem>>
      %dma_start3A_971 = arith.constant 0 : i32
      %dma_start3A_972 = tpu.memref_slice %arg5[%add3A_964, %dma_start3A_971] : memref<200x128xi32, #tpu.memory_space<vmem>> -> memref<1x128xi32, #tpu.memory_space<vmem>>
      %dma_start3A_973 = tpu.memref_squeeze %dma_start3A_972 : memref<1x128xi32, #tpu.memory_space<vmem>> -> memref<128xi32, #tpu.memory_space<vmem>>
      %dma_start3A_974 = arith.constant 0 : i32
      %dma_start3A_975 = arith.constant 0 : i32
      %dma_start3A_976 = tpu.memref_slice %arg3[%dma_start3A_974, %dma_start3A_975] : memref<1000001x64xf32, #tpu.memory_space<hbm>> -> memref<1000001x64xf32, #tpu.memory_space<hbm>>
      %dma_start3A_977 = tpu.memref_slice %arg7[%dma_start3A_966] : memref<8x!tpu.dma_semaphore, #tpu.memory_space<semaphore_mem>> -> memref<1x!tpu.dma_semaphore, #tpu.memory_space<semaphore_mem>>
      %dma_start3A_978 = tpu.memref_squeeze %dma_start3A_977 : memref<1x!tpu.dma_semaphore, #tpu.memory_space<semaphore_mem>> -> memref<!tpu.dma_semaphore, #tpu.memory_space<semaphore_mem>>
      tpu.enqueue_indirect_dma source(%dma_start3A_976 : memref<1000001x64xf32, #tpu.memory_space<hbm>>) target(%dma_start3A_970 : memref<128x64xf32, #tpu.memory_space<vmem>>) offsets(%dma_start3A_973 : memref<128xi32, #tpu.memory_space<vmem>>) semaphore(%dma_start3A_978 : memref<!tpu.dma_semaphore, #tpu.memory_space<semaphore_mem>>)
      %dma_wait3A_979 = arith.constant 2 : i32
      %dma_wait3A_980 = arith.constant 2 : i32
      %dma_wait3A_981 = arith.constant 0 : i32
      %dma_wait3A_982 = arith.constant 0 : i32
      %dma_wait3A_983 = tpu.memref_slice %arg6[%dma_wait3A_979, %dma_wait3A_981, %dma_wait3A_982] : memref<8x128x64xf32, #tpu.memory_space<vmem>> -> memref<1x128x64xf32, #tpu.memory_space<vmem>>
      %dma_wait3A_984 = tpu.memref_squeeze %dma_wait3A_983 : memref<1x128x64xf32, #tpu.memory_space<vmem>> -> memref<128x64xf32, #tpu.memory_space<vmem>>
      %dma_wait3A_985 = arith.constant 0 : i32
      %dma_wait3A_986 = arith.constant 0 : i32
      %dma_wait3A_987 = tpu.memref_slice %arg4[%dma_wait3A_985, %dma_wait3A_986] : memref<819200x128xf32, #tpu.memory_space<hbm>> -> memref<128x64xf32, #tpu.memory_space<hbm>>
      %dma_wait3A_988 = tpu.memref_slice %arg8[%dma_wait3A_980] : memref<8x!tpu.dma_semaphore, #tpu.memory_space<semaphore_mem>> -> memref<1x!tpu.dma_semaphore, #tpu.memory_space<semaphore_mem>>
      %dma_wait3A_989 = tpu.memref_squeeze %dma_wait3A_988 : memref<1x!tpu.dma_semaphore, #tpu.memory_space<semaphore_mem>> -> memref<!tpu.dma_semaphore, #tpu.memory_space<semaphore_mem>>
      %dma_wait3A_990 = arith.constant 0 : i32
      %dma_wait3A_991 = arith.constant 0 : i32
      %dma_wait3A_992 = tpu.memref_slice %arg4[%dma_wait3A_990, %dma_wait3A_991] : memref<819200x128xf32, #tpu.memory_space<hbm>> -> memref<128x64xf32, #tpu.memory_space<hbm>>
      %dma_wait3A_993 = arith.constant 0 : i32
      %dma_wait3A_994 = arith.constant 0 : i32
      %dma_wait3A_995 = tpu.memref_slice %arg6[%dma_wait3A_979, %dma_wait3A_993, %dma_wait3A_994] : memref<8x128x64xf32, #tpu.memory_space<vmem>> -> memref<1x128x64xf32, #tpu.memory_space<vmem>>
      %dma_wait3A_996 = tpu.memref_squeeze %dma_wait3A_995 : memref<1x128x64xf32, #tpu.memory_space<vmem>> -> memref<128x64xf32, #tpu.memory_space<vmem>>
      tpu.wait_dma2 semaphore(%dma_wait3A_989 : memref<!tpu.dma_semaphore, #tpu.memory_space<semaphore_mem>>) src(%dma_wait3A_996 : memref<128x64xf32, #tpu.memory_space<vmem>>) dst(%dma_wait3A_992 : memref<128x64xf32, #tpu.memory_space<hbm>>)
      %add3A_997 = arith.constant 1 : i32
      %add3A_998 = arith.addi %scan3A_574, %add3A_997 : i32
      %mul3A_999 = arith.constant 8 : i32
      %mul3A_1000 = arith.muli %add3A_998, %mul3A_999 : i32
      %add3A_1001 = arith.constant 2 : i32
      %add3A_1002 = arith.addi %mul3A_1000, %add3A_1001 : i32
      %dma_start3A_1003 = arith.constant 2 : i32
      %dma_start3A_1004 = arith.constant 2 : i32
      %dma_start3A_1005 = arith.constant 0 : i32
      %dma_start3A_1006 = arith.constant 0 : i32
      %dma_start3A_1007 = tpu.memref_slice %arg6[%dma_start3A_1003, %dma_start3A_1005, %dma_start3A_1006] : memref<8x128x64xf32, #tpu.memory_space<vmem>> -> memref<1x128x64xf32, #tpu.memory_space<vmem>>
      %dma_start3A_1008 = tpu.memref_squeeze %dma_start3A_1007 : memref<1x128x64xf32, #tpu.memory_space<vmem>> -> memref<128x64xf32, #tpu.memory_space<vmem>>
      %dma_start3A_1009 = arith.constant 0 : i32
      %dma_start3A_1010 = tpu.memref_slice %arg5[%add3A_1002, %dma_start3A_1009] : memref<200x128xi32, #tpu.memory_space<vmem>> -> memref<1x128xi32, #tpu.memory_space<vmem>>
      %dma_start3A_1011 = tpu.memref_squeeze %dma_start3A_1010 : memref<1x128xi32, #tpu.memory_space<vmem>> -> memref<128xi32, #tpu.memory_space<vmem>>
      %dma_start3A_1012 = arith.constant 0 : i32
      %dma_start3A_1013 = arith.constant 0 : i32
      %dma_start3A_1014 = tpu.memref_slice %arg3[%dma_start3A_1012, %dma_start3A_1013] : memref<1000001x64xf32, #tpu.memory_space<hbm>> -> memref<1000001x64xf32, #tpu.memory_space<hbm>>
      %dma_start3A_1015 = tpu.memref_slice %arg7[%dma_start3A_1004] : memref<8x!tpu.dma_semaphore, #tpu.memory_space<semaphore_mem>> -> memref<1x!tpu.dma_semaphore, #tpu.memory_space<semaphore_mem>>
      %dma_start3A_1016 = tpu.memref_squeeze %dma_start3A_1015 : memref<1x!tpu.dma_semaphore, #tpu.memory_space<semaphore_mem>> -> memref<!tpu.dma_semaphore, #tpu.memory_space<semaphore_mem>>
      tpu.enqueue_indirect_dma source(%dma_start3A_1014 : memref<1000001x64xf32, #tpu.memory_space<hbm>>) target(%dma_start3A_1008 : memref<128x64xf32, #tpu.memory_space<vmem>>) offsets(%dma_start3A_1011 : memref<128xi32, #tpu.memory_space<vmem>>) semaphore(%dma_start3A_1016 : memref<!tpu.dma_semaphore, #tpu.memory_space<semaphore_mem>>)
      %dma_wait3A_1017 = arith.constant 3 : i32
      %dma_wait3A_1018 = arith.constant 3 : i32
      %dma_wait3A_1019 = arith.constant 0 : i32
      %dma_wait3A_1020 = arith.constant 0 : i32
      %dma_wait3A_1021 = tpu.memref_slice %arg6[%dma_wait3A_1017, %dma_wait3A_1019, %dma_wait3A_1020] : memref<8x128x64xf32, #tpu.memory_space<vmem>> -> memref<1x128x64xf32, #tpu.memory_space<vmem>>
      %dma_wait3A_1022 = tpu.memref_squeeze %dma_wait3A_1021 : memref<1x128x64xf32, #tpu.memory_space<vmem>> -> memref<128x64xf32, #tpu.memory_space<vmem>>
      %dma_wait3A_1023 = arith.constant 0 : i32
      %dma_wait3A_1024 = arith.constant 0 : i32
      %dma_wait3A_1025 = tpu.memref_slice %arg4[%dma_wait3A_1023, %dma_wait3A_1024] : memref<819200x128xf32, #tpu.memory_space<hbm>> -> memref<128x64xf32, #tpu.memory_space<hbm>>
      %dma_wait3A_1026 = tpu.memref_slice %arg8[%dma_wait3A_1018] : memref<8x!tpu.dma_semaphore, #tpu.memory_space<semaphore_mem>> -> memref<1x!tpu.dma_semaphore, #tpu.memory_space<semaphore_mem>>
      %dma_wait3A_1027 = tpu.memref_squeeze %dma_wait3A_1026 : memref<1x!tpu.dma_semaphore, #tpu.memory_space<semaphore_mem>> -> memref<!tpu.dma_semaphore, #tpu.memory_space<semaphore_mem>>
      %dma_wait3A_1028 = arith.constant 0 : i32
      %dma_wait3A_1029 = arith.constant 0 : i32
      %dma_wait3A_1030 = tpu.memref_slice %arg4[%dma_wait3A_1028, %dma_wait3A_1029] : memref<819200x128xf32, #tpu.memory_space<hbm>> -> memref<128x64xf32, #tpu.memory_space<hbm>>
      %dma_wait3A_1031 = arith.constant 0 : i32
      %dma_wait3A_1032 = arith.constant 0 : i32
      %dma_wait3A_1033 = tpu.memref_slice %arg6[%dma_wait3A_1017, %dma_wait3A_1031, %dma_wait3A_1032] : memref<8x128x64xf32, #tpu.memory_space<vmem>> -> memref<1x128x64xf32, #tpu.memory_space<vmem>>
      %dma_wait3A_1034 = tpu.memref_squeeze %dma_wait3A_1033 : memref<1x128x64xf32, #tpu.memory_space<vmem>> -> memref<128x64xf32, #tpu.memory_space<vmem>>
      tpu.wait_dma2 semaphore(%dma_wait3A_1027 : memref<!tpu.dma_semaphore, #tpu.memory_space<semaphore_mem>>) src(%dma_wait3A_1034 : memref<128x64xf32, #tpu.memory_space<vmem>>) dst(%dma_wait3A_1030 : memref<128x64xf32, #tpu.memory_space<hbm>>)
      %add3A_1035 = arith.constant 1 : i32
      %add3A_1036 = arith.addi %scan3A_574, %add3A_1035 : i32
      %mul3A_1037 = arith.constant 8 : i32
      %mul3A_1038 = arith.muli %add3A_1036, %mul3A_1037 : i32
      %add3A_1039 = arith.constant 3 : i32
      %add3A_1040 = arith.addi %mul3A_1038, %add3A_1039 : i32
      %dma_start3A_1041 = arith.constant 3 : i32
      %dma_start3A_1042 = arith.constant 3 : i32
      %dma_start3A_1043 = arith.constant 0 : i32
      %dma_start3A_1044 = arith.constant 0 : i32
      %dma_start3A_1045 = tpu.memref_slice %arg6[%dma_start3A_1041, %dma_start3A_1043, %dma_start3A_1044] : memref<8x128x64xf32, #tpu.memory_space<vmem>> -> memref<1x128x64xf32, #tpu.memory_space<vmem>>
      %dma_start3A_1046 = tpu.memref_squeeze %dma_start3A_1045 : memref<1x128x64xf32, #tpu.memory_space<vmem>> -> memref<128x64xf32, #tpu.memory_space<vmem>>
      %dma_start3A_1047 = arith.constant 0 : i32
      %dma_start3A_1048 = tpu.memref_slice %arg5[%add3A_1040, %dma_start3A_1047] : memref<200x128xi32, #tpu.memory_space<vmem>> -> memref<1x128xi32, #tpu.memory_space<vmem>>
      %dma_start3A_1049 = tpu.memref_squeeze %dma_start3A_1048 : memref<1x128xi32, #tpu.memory_space<vmem>> -> memref<128xi32, #tpu.memory_space<vmem>>
      %dma_start3A_1050 = arith.constant 0 : i32
      %dma_start3A_1051 = arith.constant 0 : i32
      %dma_start3A_1052 = tpu.memref_slice %arg3[%dma_start3A_1050, %dma_start3A_1051] : memref<1000001x64xf32, #tpu.memory_space<hbm>> -> memref<1000001x64xf32, #tpu.memory_space<hbm>>
      %dma_start3A_1053 = tpu.memref_slice %arg7[%dma_start3A_1042] : memref<8x!tpu.dma_semaphore, #tpu.memory_space<semaphore_mem>> -> memref<1x!tpu.dma_semaphore, #tpu.memory_space<semaphore_mem>>
      %dma_start3A_1054 = tpu.memref_squeeze %dma_start3A_1053 : memref<1x!tpu.dma_semaphore, #tpu.memory_space<semaphore_mem>> -> memref<!tpu.dma_semaphore, #tpu.memory_space<semaphore_mem>>
      tpu.enqueue_indirect_dma source(%dma_start3A_1052 : memref<1000001x64xf32, #tpu.memory_space<hbm>>) target(%dma_start3A_1046 : memref<128x64xf32, #tpu.memory_space<vmem>>) offsets(%dma_start3A_1049 : memref<128xi32, #tpu.memory_space<vmem>>) semaphore(%dma_start3A_1054 : memref<!tpu.dma_semaphore, #tpu.memory_space<semaphore_mem>>)
      %dma_wait3A_1055 = arith.constant 4 : i32
      %dma_wait3A_1056 = arith.constant 4 : i32
      %dma_wait3A_1057 = arith.constant 0 : i32
      %dma_wait3A_1058 = arith.constant 0 : i32
      %dma_wait3A_1059 = tpu.memref_slice %arg6[%dma_wait3A_1055, %dma_wait3A_1057, %dma_wait3A_1058] : memref<8x128x64xf32, #tpu.memory_space<vmem>> -> memref<1x128x64xf32, #tpu.memory_space<vmem>>
      %dma_wait3A_1060 = tpu.memref_squeeze %dma_wait3A_1059 : memref<1x128x64xf32, #tpu.memory_space<vmem>> -> memref<128x64xf32, #tpu.memory_space<vmem>>
      %dma_wait3A_1061 = arith.constant 0 : i32
      %dma_wait3A_1062 = arith.constant 0 : i32
      %dma_wait3A_1063 = tpu.memref_slice %arg4[%dma_wait3A_1061, %dma_wait3A_1062] : memref<819200x128xf32, #tpu.memory_space<hbm>> -> memref<128x64xf32, #tpu.memory_space<hbm>>
      %dma_wait3A_1064 = tpu.memref_slice %arg8[%dma_wait3A_1056] : memref<8x!tpu.dma_semaphore, #tpu.memory_space<semaphore_mem>> -> memref<1x!tpu.dma_semaphore, #tpu.memory_space<semaphore_mem>>
      %dma_wait3A_1065 = tpu.memref_squeeze %dma_wait3A_1064 : memref<1x!tpu.dma_semaphore, #tpu.memory_space<semaphore_mem>> -> memref<!tpu.dma_semaphore, #tpu.memory_space<semaphore_mem>>
      %dma_wait3A_1066 = arith.constant 0 : i32
      %dma_wait3A_1067 = arith.constant 0 : i32
      %dma_wait3A_1068 = tpu.memref_slice %arg4[%dma_wait3A_1066, %dma_wait3A_1067] : memref<819200x128xf32, #tpu.memory_space<hbm>> -> memref<128x64xf32, #tpu.memory_space<hbm>>
      %dma_wait3A_1069 = arith.constant 0 : i32
      %dma_wait3A_1070 = arith.constant 0 : i32
      %dma_wait3A_1071 = tpu.memref_slice %arg6[%dma_wait3A_1055, %dma_wait3A_1069, %dma_wait3A_1070] : memref<8x128x64xf32, #tpu.memory_space<vmem>> -> memref<1x128x64xf32, #tpu.memory_space<vmem>>
      %dma_wait3A_1072 = tpu.memref_squeeze %dma_wait3A_1071 : memref<1x128x64xf32, #tpu.memory_space<vmem>> -> memref<128x64xf32, #tpu.memory_space<vmem>>
      tpu.wait_dma2 semaphore(%dma_wait3A_1065 : memref<!tpu.dma_semaphore, #tpu.memory_space<semaphore_mem>>) src(%dma_wait3A_1072 : memref<128x64xf32, #tpu.memory_space<vmem>>) dst(%dma_wait3A_1068 : memref<128x64xf32, #tpu.memory_space<hbm>>)
      %add3A_1073 = arith.constant 1 : i32
      %add3A_1074 = arith.addi %scan3A_574, %add3A_1073 : i32
      %mul3A_1075 = arith.constant 8 : i32
      %mul3A_1076 = arith.muli %add3A_1074, %mul3A_1075 : i32
      %add3A_1077 = arith.constant 4 : i32
      %add3A_1078 = arith.addi %mul3A_1076, %add3A_1077 : i32
      %dma_start3A_1079 = arith.constant 4 : i32
      %dma_start3A_1080 = arith.constant 4 : i32
      %dma_start3A_1081 = arith.constant 0 : i32
      %dma_start3A_1082 = arith.constant 0 : i32
      %dma_start3A_1083 = tpu.memref_slice %arg6[%dma_start3A_1079, %dma_start3A_1081, %dma_start3A_1082] : memref<8x128x64xf32, #tpu.memory_space<vmem>> -> memref<1x128x64xf32, #tpu.memory_space<vmem>>
      %dma_start3A_1084 = tpu.memref_squeeze %dma_start3A_1083 : memref<1x128x64xf32, #tpu.memory_space<vmem>> -> memref<128x64xf32, #tpu.memory_space<vmem>>
      %dma_start3A_1085 = arith.constant 0 : i32
      %dma_start3A_1086 = tpu.memref_slice %arg5[%add3A_1078, %dma_start3A_1085] : memref<200x128xi32, #tpu.memory_space<vmem>> -> memref<1x128xi32, #tpu.memory_space<vmem>>
      %dma_start3A_1087 = tpu.memref_squeeze %dma_start3A_1086 : memref<1x128xi32, #tpu.memory_space<vmem>> -> memref<128xi32, #tpu.memory_space<vmem>>
      %dma_start3A_1088 = arith.constant 0 : i32
      %dma_start3A_1089 = arith.constant 0 : i32
      %dma_start3A_1090 = tpu.memref_slice %arg3[%dma_start3A_1088, %dma_start3A_1089] : memref<1000001x64xf32, #tpu.memory_space<hbm>> -> memref<1000001x64xf32, #tpu.memory_space<hbm>>
      %dma_start3A_1091 = tpu.memref_slice %arg7[%dma_start3A_1080] : memref<8x!tpu.dma_semaphore, #tpu.memory_space<semaphore_mem>> -> memref<1x!tpu.dma_semaphore, #tpu.memory_space<semaphore_mem>>
      %dma_start3A_1092 = tpu.memref_squeeze %dma_start3A_1091 : memref<1x!tpu.dma_semaphore, #tpu.memory_space<semaphore_mem>> -> memref<!tpu.dma_semaphore, #tpu.memory_space<semaphore_mem>>
      tpu.enqueue_indirect_dma source(%dma_start3A_1090 : memref<1000001x64xf32, #tpu.memory_space<hbm>>) target(%dma_start3A_1084 : memref<128x64xf32, #tpu.memory_space<vmem>>) offsets(%dma_start3A_1087 : memref<128xi32, #tpu.memory_space<vmem>>) semaphore(%dma_start3A_1092 : memref<!tpu.dma_semaphore, #tpu.memory_space<semaphore_mem>>)
      %dma_wait3A_1093 = arith.constant 5 : i32
      %dma_wait3A_1094 = arith.constant 5 : i32
      %dma_wait3A_1095 = arith.constant 0 : i32
      %dma_wait3A_1096 = arith.constant 0 : i32
      %dma_wait3A_1097 = tpu.memref_slice %arg6[%dma_wait3A_1093, %dma_wait3A_1095, %dma_wait3A_1096] : memref<8x128x64xf32, #tpu.memory_space<vmem>> -> memref<1x128x64xf32, #tpu.memory_space<vmem>>
      %dma_wait3A_1098 = tpu.memref_squeeze %dma_wait3A_1097 : memref<1x128x64xf32, #tpu.memory_space<vmem>> -> memref<128x64xf32, #tpu.memory_space<vmem>>
      %dma_wait3A_1099 = arith.constant 0 : i32
      %dma_wait3A_1100 = arith.constant 0 : i32
      %dma_wait3A_1101 = tpu.memref_slice %arg4[%dma_wait3A_1099, %dma_wait3A_1100] : memref<819200x128xf32, #tpu.memory_space<hbm>> -> memref<128x64xf32, #tpu.memory_space<hbm>>
      %dma_wait3A_1102 = tpu.memref_slice %arg8[%dma_wait3A_1094] : memref<8x!tpu.dma_semaphore, #tpu.memory_space<semaphore_mem>> -> memref<1x!tpu.dma_semaphore, #tpu.memory_space<semaphore_mem>>
      %dma_wait3A_1103 = tpu.memref_squeeze %dma_wait3A_1102 : memref<1x!tpu.dma_semaphore, #tpu.memory_space<semaphore_mem>> -> memref<!tpu.dma_semaphore, #tpu.memory_space<semaphore_mem>>
      %dma_wait3A_1104 = arith.constant 0 : i32
      %dma_wait3A_1105 = arith.constant 0 : i32
      %dma_wait3A_1106 = tpu.memref_slice %arg4[%dma_wait3A_1104, %dma_wait3A_1105] : memref<819200x128xf32, #tpu.memory_space<hbm>> -> memref<128x64xf32, #tpu.memory_space<hbm>>
      %dma_wait3A_1107 = arith.constant 0 : i32
      %dma_wait3A_1108 = arith.constant 0 : i32
      %dma_wait3A_1109 = tpu.memref_slice %arg6[%dma_wait3A_1093, %dma_wait3A_1107, %dma_wait3A_1108] : memref<8x128x64xf32, #tpu.memory_space<vmem>> -> memref<1x128x64xf32, #tpu.memory_space<vmem>>
      %dma_wait3A_1110 = tpu.memref_squeeze %dma_wait3A_1109 : memref<1x128x64xf32, #tpu.memory_space<vmem>> -> memref<128x64xf32, #tpu.memory_space<vmem>>
      tpu.wait_dma2 semaphore(%dma_wait3A_1103 : memref<!tpu.dma_semaphore, #tpu.memory_space<semaphore_mem>>) src(%dma_wait3A_1110 : memref<128x64xf32, #tpu.memory_space<vmem>>) dst(%dma_wait3A_1106 : memref<128x64xf32, #tpu.memory_space<hbm>>)
      %add3A_1111 = arith.constant 1 : i32
      %add3A_1112 = arith.addi %scan3A_574, %add3A_1111 : i32
      %mul3A_1113 = arith.constant 8 : i32
      %mul3A_1114 = arith.muli %add3A_1112, %mul3A_1113 : i32
      %add3A_1115 = arith.constant 5 : i32
      %add3A_1116 = arith.addi %mul3A_1114, %add3A_1115 : i32
      %dma_start3A_1117 = arith.constant 5 : i32
      %dma_start3A_1118 = arith.constant 5 : i32
      %dma_start3A_1119 = arith.constant 0 : i32
      %dma_start3A_1120 = arith.constant 0 : i32
      %dma_start3A_1121 = tpu.memref_slice %arg6[%dma_start3A_1117, %dma_start3A_1119, %dma_start3A_1120] : memref<8x128x64xf32, #tpu.memory_space<vmem>> -> memref<1x128x64xf32, #tpu.memory_space<vmem>>
      %dma_start3A_1122 = tpu.memref_squeeze %dma_start3A_1121 : memref<1x128x64xf32, #tpu.memory_space<vmem>> -> memref<128x64xf32, #tpu.memory_space<vmem>>
      %dma_start3A_1123 = arith.constant 0 : i32
      %dma_start3A_1124 = tpu.memref_slice %arg5[%add3A_1116, %dma_start3A_1123] : memref<200x128xi32, #tpu.memory_space<vmem>> -> memref<1x128xi32, #tpu.memory_space<vmem>>
      %dma_start3A_1125 = tpu.memref_squeeze %dma_start3A_1124 : memref<1x128xi32, #tpu.memory_space<vmem>> -> memref<128xi32, #tpu.memory_space<vmem>>
      %dma_start3A_1126 = arith.constant 0 : i32
      %dma_start3A_1127 = arith.constant 0 : i32
      %dma_start3A_1128 = tpu.memref_slice %arg3[%dma_start3A_1126, %dma_start3A_1127] : memref<1000001x64xf32, #tpu.memory_space<hbm>> -> memref<1000001x64xf32, #tpu.memory_space<hbm>>
      %dma_start3A_1129 = tpu.memref_slice %arg7[%dma_start3A_1118] : memref<8x!tpu.dma_semaphore, #tpu.memory_space<semaphore_mem>> -> memref<1x!tpu.dma_semaphore, #tpu.memory_space<semaphore_mem>>
      %dma_start3A_1130 = tpu.memref_squeeze %dma_start3A_1129 : memref<1x!tpu.dma_semaphore, #tpu.memory_space<semaphore_mem>> -> memref<!tpu.dma_semaphore, #tpu.memory_space<semaphore_mem>>
      tpu.enqueue_indirect_dma source(%dma_start3A_1128 : memref<1000001x64xf32, #tpu.memory_space<hbm>>) target(%dma_start3A_1122 : memref<128x64xf32, #tpu.memory_space<vmem>>) offsets(%dma_start3A_1125 : memref<128xi32, #tpu.memory_space<vmem>>) semaphore(%dma_start3A_1130 : memref<!tpu.dma_semaphore, #tpu.memory_space<semaphore_mem>>)
      %dma_wait3A_1131 = arith.constant 6 : i32
      %dma_wait3A_1132 = arith.constant 6 : i32
      %dma_wait3A_1133 = arith.constant 0 : i32
      %dma_wait3A_1134 = arith.constant 0 : i32
      %dma_wait3A_1135 = tpu.memref_slice %arg6[%dma_wait3A_1131, %dma_wait3A_1133, %dma_wait3A_1134] : memref<8x128x64xf32, #tpu.memory_space<vmem>> -> memref<1x128x64xf32, #tpu.memory_space<vmem>>
      %dma_wait3A_1136 = tpu.memref_squeeze %dma_wait3A_1135 : memref<1x128x64xf32, #tpu.memory_space<vmem>> -> memref<128x64xf32, #tpu.memory_space<vmem>>
      %dma_wait3A_1137 = arith.constant 0 : i32
      %dma_wait3A_1138 = arith.constant 0 : i32
      %dma_wait3A_1139 = tpu.memref_slice %arg4[%dma_wait3A_1137, %dma_wait3A_1138] : memref<819200x128xf32, #tpu.memory_space<hbm>> -> memref<128x64xf32, #tpu.memory_space<hbm>>
      %dma_wait3A_1140 = tpu.memref_slice %arg8[%dma_wait3A_1132] : memref<8x!tpu.dma_semaphore, #tpu.memory_space<semaphore_mem>> -> memref<1x!tpu.dma_semaphore, #tpu.memory_space<semaphore_mem>>
      %dma_wait3A_1141 = tpu.memref_squeeze %dma_wait3A_1140 : memref<1x!tpu.dma_semaphore, #tpu.memory_space<semaphore_mem>> -> memref<!tpu.dma_semaphore, #tpu.memory_space<semaphore_mem>>
      %dma_wait3A_1142 = arith.constant 0 : i32
      %dma_wait3A_1143 = arith.constant 0 : i32
      %dma_wait3A_1144 = tpu.memref_slice %arg4[%dma_wait3A_1142, %dma_wait3A_1143] : memref<819200x128xf32, #tpu.memory_space<hbm>> -> memref<128x64xf32, #tpu.memory_space<hbm>>
      %dma_wait3A_1145 = arith.constant 0 : i32
      %dma_wait3A_1146 = arith.constant 0 : i32
      %dma_wait3A_1147 = tpu.memref_slice %arg6[%dma_wait3A_1131, %dma_wait3A_1145, %dma_wait3A_1146] : memref<8x128x64xf32, #tpu.memory_space<vmem>> -> memref<1x128x64xf32, #tpu.memory_space<vmem>>
      %dma_wait3A_1148 = tpu.memref_squeeze %dma_wait3A_1147 : memref<1x128x64xf32, #tpu.memory_space<vmem>> -> memref<128x64xf32, #tpu.memory_space<vmem>>
      tpu.wait_dma2 semaphore(%dma_wait3A_1141 : memref<!tpu.dma_semaphore, #tpu.memory_space<semaphore_mem>>) src(%dma_wait3A_1148 : memref<128x64xf32, #tpu.memory_space<vmem>>) dst(%dma_wait3A_1144 : memref<128x64xf32, #tpu.memory_space<hbm>>)
      %add3A_1149 = arith.constant 1 : i32
      %add3A_1150 = arith.addi %scan3A_574, %add3A_1149 : i32
      %mul3A_1151 = arith.constant 8 : i32
      %mul3A_1152 = arith.muli %add3A_1150, %mul3A_1151 : i32
      %add3A_1153 = arith.constant 6 : i32
      %add3A_1154 = arith.addi %mul3A_1152, %add3A_1153 : i32
      %dma_start3A_1155 = arith.constant 6 : i32
      %dma_start3A_1156 = arith.constant 6 : i32
      %dma_start3A_1157 = arith.constant 0 : i32
      %dma_start3A_1158 = arith.constant 0 : i32
      %dma_start3A_1159 = tpu.memref_slice %arg6[%dma_start3A_1155, %dma_start3A_1157, %dma_start3A_1158] : memref<8x128x64xf32, #tpu.memory_space<vmem>> -> memref<1x128x64xf32, #tpu.memory_space<vmem>>
      %dma_start3A_1160 = tpu.memref_squeeze %dma_start3A_1159 : memref<1x128x64xf32, #tpu.memory_space<vmem>> -> memref<128x64xf32, #tpu.memory_space<vmem>>
      %dma_start3A_1161 = arith.constant 0 : i32
      %dma_start3A_1162 = tpu.memref_slice %arg5[%add3A_1154, %dma_start3A_1161] : memref<200x128xi32, #tpu.memory_space<vmem>> -> memref<1x128xi32, #tpu.memory_space<vmem>>
      %dma_start3A_1163 = tpu.memref_squeeze %dma_start3A_1162 : memref<1x128xi32, #tpu.memory_space<vmem>> -> memref<128xi32, #tpu.memory_space<vmem>>
      %dma_start3A_1164 = arith.constant 0 : i32
      %dma_start3A_1165 = arith.constant 0 : i32
      %dma_start3A_1166 = tpu.memref_slice %arg3[%dma_start3A_1164, %dma_start3A_1165] : memref<1000001x64xf32, #tpu.memory_space<hbm>> -> memref<1000001x64xf32, #tpu.memory_space<hbm>>
      %dma_start3A_1167 = tpu.memref_slice %arg7[%dma_start3A_1156] : memref<8x!tpu.dma_semaphore, #tpu.memory_space<semaphore_mem>> -> memref<1x!tpu.dma_semaphore, #tpu.memory_space<semaphore_mem>>
      %dma_start3A_1168 = tpu.memref_squeeze %dma_start3A_1167 : memref<1x!tpu.dma_semaphore, #tpu.memory_space<semaphore_mem>> -> memref<!tpu.dma_semaphore, #tpu.memory_space<semaphore_mem>>
      tpu.enqueue_indirect_dma source(%dma_start3A_1166 : memref<1000001x64xf32, #tpu.memory_space<hbm>>) target(%dma_start3A_1160 : memref<128x64xf32, #tpu.memory_space<vmem>>) offsets(%dma_start3A_1163 : memref<128xi32, #tpu.memory_space<vmem>>) semaphore(%dma_start3A_1168 : memref<!tpu.dma_semaphore, #tpu.memory_space<semaphore_mem>>)
      %dma_wait3A_1169 = arith.constant 7 : i32
      %dma_wait3A_1170 = arith.constant 7 : i32
      %dma_wait3A_1171 = arith.constant 0 : i32
      %dma_wait3A_1172 = arith.constant 0 : i32
      %dma_wait3A_1173 = tpu.memref_slice %arg6[%dma_wait3A_1169, %dma_wait3A_1171, %dma_wait3A_1172] : memref<8x128x64xf32, #tpu.memory_space<vmem>> -> memref<1x128x64xf32, #tpu.memory_space<vmem>>
      %dma_wait3A_1174 = tpu.memref_squeeze %dma_wait3A_1173 : memref<1x128x64xf32, #tpu.memory_space<vmem>> -> memref<128x64xf32, #tpu.memory_space<vmem>>
      %dma_wait3A_1175 = arith.constant 0 : i32
      %dma_wait3A_1176 = arith.constant 0 : i32
      %dma_wait3A_1177 = tpu.memref_slice %arg4[%dma_wait3A_1175, %dma_wait3A_1176] : memref<819200x128xf32, #tpu.memory_space<hbm>> -> memref<128x64xf32, #tpu.memory_space<hbm>>
      %dma_wait3A_1178 = tpu.memref_slice %arg8[%dma_wait3A_1170] : memref<8x!tpu.dma_semaphore, #tpu.memory_space<semaphore_mem>> -> memref<1x!tpu.dma_semaphore, #tpu.memory_space<semaphore_mem>>
      %dma_wait3A_1179 = tpu.memref_squeeze %dma_wait3A_1178 : memref<1x!tpu.dma_semaphore, #tpu.memory_space<semaphore_mem>> -> memref<!tpu.dma_semaphore, #tpu.memory_space<semaphore_mem>>
      %dma_wait3A_1180 = arith.constant 0 : i32
      %dma_wait3A_1181 = arith.constant 0 : i32
      %dma_wait3A_1182 = tpu.memref_slice %arg4[%dma_wait3A_1180, %dma_wait3A_1181] : memref<819200x128xf32, #tpu.memory_space<hbm>> -> memref<128x64xf32, #tpu.memory_space<hbm>>
      %dma_wait3A_1183 = arith.constant 0 : i32
      %dma_wait3A_1184 = arith.constant 0 : i32
      %dma_wait3A_1185 = tpu.memref_slice %arg6[%dma_wait3A_1169, %dma_wait3A_1183, %dma_wait3A_1184] : memref<8x128x64xf32, #tpu.memory_space<vmem>> -> memref<1x128x64xf32, #tpu.memory_space<vmem>>
      %dma_wait3A_1186 = tpu.memref_squeeze %dma_wait3A_1185 : memref<1x128x64xf32, #tpu.memory_space<vmem>> -> memref<128x64xf32, #tpu.memory_space<vmem>>
      tpu.wait_dma2 semaphore(%dma_wait3A_1179 : memref<!tpu.dma_semaphore, #tpu.memory_space<semaphore_mem>>) src(%dma_wait3A_1186 : memref<128x64xf32, #tpu.memory_space<vmem>>) dst(%dma_wait3A_1182 : memref<128x64xf32, #tpu.memory_space<hbm>>)
      %add3A_1187 = arith.constant 1 : i32
      %add3A_1188 = arith.addi %scan3A_574, %add3A_1187 : i32
      %mul3A_1189 = arith.constant 8 : i32
      %mul3A_1190 = arith.muli %add3A_1188, %mul3A_1189 : i32
      %add3A_1191 = arith.constant 7 : i32
      %add3A_1192 = arith.addi %mul3A_1190, %add3A_1191 : i32
      %dma_start3A_1193 = arith.constant 7 : i32
      %dma_start3A_1194 = arith.constant 7 : i32
      %dma_start3A_1195 = arith.constant 0 : i32
      %dma_start3A_1196 = arith.constant 0 : i32
      %dma_start3A_1197 = tpu.memref_slice %arg6[%dma_start3A_1193, %dma_start3A_1195, %dma_start3A_1196] : memref<8x128x64xf32, #tpu.memory_space<vmem>> -> memref<1x128x64xf32, #tpu.memory_space<vmem>>
      %dma_start3A_1198 = tpu.memref_squeeze %dma_start3A_1197 : memref<1x128x64xf32, #tpu.memory_space<vmem>> -> memref<128x64xf32, #tpu.memory_space<vmem>>
      %dma_start3A_1199 = arith.constant 0 : i32
      %dma_start3A_1200 = tpu.memref_slice %arg5[%add3A_1192, %dma_start3A_1199] : memref<200x128xi32, #tpu.memory_space<vmem>> -> memref<1x128xi32, #tpu.memory_space<vmem>>
      %dma_start3A_1201 = tpu.memref_squeeze %dma_start3A_1200 : memref<1x128xi32, #tpu.memory_space<vmem>> -> memref<128xi32, #tpu.memory_space<vmem>>
      %dma_start3A_1202 = arith.constant 0 : i32
      %dma_start3A_1203 = arith.constant 0 : i32
      %dma_start3A_1204 = tpu.memref_slice %arg3[%dma_start3A_1202, %dma_start3A_1203] : memref<1000001x64xf32, #tpu.memory_space<hbm>> -> memref<1000001x64xf32, #tpu.memory_space<hbm>>
      %dma_start3A_1205 = tpu.memref_slice %arg7[%dma_start3A_1194] : memref<8x!tpu.dma_semaphore, #tpu.memory_space<semaphore_mem>> -> memref<1x!tpu.dma_semaphore, #tpu.memory_space<semaphore_mem>>
      %dma_start3A_1206 = tpu.memref_squeeze %dma_start3A_1205 : memref<1x!tpu.dma_semaphore, #tpu.memory_space<semaphore_mem>> -> memref<!tpu.dma_semaphore, #tpu.memory_space<semaphore_mem>>
      tpu.enqueue_indirect_dma source(%dma_start3A_1204 : memref<1000001x64xf32, #tpu.memory_space<hbm>>) target(%dma_start3A_1198 : memref<128x64xf32, #tpu.memory_space<vmem>>) offsets(%dma_start3A_1201 : memref<128xi32, #tpu.memory_space<vmem>>) semaphore(%dma_start3A_1206 : memref<!tpu.dma_semaphore, #tpu.memory_space<semaphore_mem>>)
    }
    %scan3A_126 = arith.constant 24 : i32
    %dma_wait3A = arith.constant 0 : i32
    %dma_wait3A_127 = arith.constant 0 : i32
    %dma_wait3A_128 = arith.constant 0 : i32
    %dma_wait3A_129 = arith.constant 0 : i32
    %dma_wait3A_130 = tpu.memref_slice %arg6[%dma_wait3A, %dma_wait3A_128, %dma_wait3A_129] : memref<8x128x64xf32, #tpu.memory_space<vmem>> -> memref<1x128x64xf32, #tpu.memory_space<vmem>>
    %dma_wait3A_131 = tpu.memref_squeeze %dma_wait3A_130 : memref<1x128x64xf32, #tpu.memory_space<vmem>> -> memref<128x64xf32, #tpu.memory_space<vmem>>
    %dma_wait3A_132 = arith.constant 0 : i32
    %dma_wait3A_133 = arith.constant 0 : i32
    %dma_wait3A_134 = tpu.memref_slice %arg3[%dma_wait3A_132, %dma_wait3A_133] : memref<1000001x64xf32, #tpu.memory_space<hbm>> -> memref<128x64xf32, #tpu.memory_space<hbm>>
    %dma_wait3A_135 = tpu.memref_slice %arg7[%dma_wait3A_127] : memref<8x!tpu.dma_semaphore, #tpu.memory_space<semaphore_mem>> -> memref<1x!tpu.dma_semaphore, #tpu.memory_space<semaphore_mem>>
    %dma_wait3A_136 = tpu.memref_squeeze %dma_wait3A_135 : memref<1x!tpu.dma_semaphore, #tpu.memory_space<semaphore_mem>> -> memref<!tpu.dma_semaphore, #tpu.memory_space<semaphore_mem>>
    %dma_wait3A_137 = arith.constant 0 : i32
    %dma_wait3A_138 = arith.constant 0 : i32
    %dma_wait3A_139 = tpu.memref_slice %arg6[%dma_wait3A, %dma_wait3A_137, %dma_wait3A_138] : memref<8x128x64xf32, #tpu.memory_space<vmem>> -> memref<1x128x64xf32, #tpu.memory_space<vmem>>
    %dma_wait3A_140 = tpu.memref_squeeze %dma_wait3A_139 : memref<1x128x64xf32, #tpu.memory_space<vmem>> -> memref<128x64xf32, #tpu.memory_space<vmem>>
    %dma_wait3A_141 = arith.constant 0 : i32
    %dma_wait3A_142 = arith.constant 0 : i32
    %dma_wait3A_143 = tpu.memref_slice %arg3[%dma_wait3A_141, %dma_wait3A_142] : memref<1000001x64xf32, #tpu.memory_space<hbm>> -> memref<128x64xf32, #tpu.memory_space<hbm>>
    tpu.wait_dma2 semaphore(%dma_wait3A_136 : memref<!tpu.dma_semaphore, #tpu.memory_space<semaphore_mem>>) src(%dma_wait3A_143 : memref<128x64xf32, #tpu.memory_space<hbm>>) dst(%dma_wait3A_140 : memref<128x64xf32, #tpu.memory_space<vmem>>)
    %add3A_144 = arith.constant 192 : i32
    %add3A_145 = arith.addi %mul3A_2, %add3A_144 : i32
    %mul3A_146 = arith.constant 128 : i32
    %mul3A_147 = arith.muli %add3A_145, %mul3A_146 : i32
    %dma_start3A_148 = arith.constant 0 : i32
    %dma_start3A_149 = arith.constant 0 : i32
    %dma_start3A_150 = arith.constant 0 : i32
    %dma_start3A_151 = arith.constant 0 : i32
    %dma_start3A_152 = tpu.memref_slice %arg6[%dma_start3A_148, %dma_start3A_150, %dma_start3A_151] : memref<8x128x64xf32, #tpu.memory_space<vmem>> -> memref<1x128x64xf32, #tpu.memory_space<vmem>>
    %dma_start3A_153 = tpu.memref_squeeze %dma_start3A_152 : memref<1x128x64xf32, #tpu.memory_space<vmem>> -> memref<128x64xf32, #tpu.memory_space<vmem>>
    %dma_start3A_154 = arith.constant 0 : i32
    %dma_start3A_155 = tpu.memref_slice %arg4[%mul3A_147, %dma_start3A_154] : memref<819200x128xf32, #tpu.memory_space<hbm>> -> memref<128x64xf32, #tpu.memory_space<hbm>>
    %dma_start3A_156 = tpu.memref_slice %arg8[%dma_start3A_149] : memref<8x!tpu.dma_semaphore, #tpu.memory_space<semaphore_mem>> -> memref<1x!tpu.dma_semaphore, #tpu.memory_space<semaphore_mem>>
    %dma_start3A_157 = tpu.memref_squeeze %dma_start3A_156 : memref<1x!tpu.dma_semaphore, #tpu.memory_space<semaphore_mem>> -> memref<!tpu.dma_semaphore, #tpu.memory_space<semaphore_mem>>
    %dma_start3A_158 = arith.constant 0 : i32
    %dma_start3A_159 = tpu.memref_slice %arg4[%mul3A_147, %dma_start3A_158] : memref<819200x128xf32, #tpu.memory_space<hbm>> -> memref<128x64xf32, #tpu.memory_space<hbm>>
    %dma_start3A_160 = arith.constant 0 : i32
    %dma_start3A_161 = arith.constant 0 : i32
    %dma_start3A_162 = tpu.memref_slice %arg6[%dma_start3A_148, %dma_start3A_160, %dma_start3A_161] : memref<8x128x64xf32, #tpu.memory_space<vmem>> -> memref<1x128x64xf32, #tpu.memory_space<vmem>>
    %dma_start3A_163 = tpu.memref_squeeze %dma_start3A_162 : memref<1x128x64xf32, #tpu.memory_space<vmem>> -> memref<128x64xf32, #tpu.memory_space<vmem>>
    tpu.enqueue_dma source(%dma_start3A_163 : memref<128x64xf32, #tpu.memory_space<vmem>>) target(%dma_start3A_159 : memref<128x64xf32, #tpu.memory_space<hbm>>) target_semaphore(%dma_start3A_157 : memref<!tpu.dma_semaphore, #tpu.memory_space<semaphore_mem>>)
    %dma_wait3A_164 = arith.constant 1 : i32
    %dma_wait3A_165 = arith.constant 1 : i32
    %dma_wait3A_166 = arith.constant 0 : i32
    %dma_wait3A_167 = arith.constant 0 : i32
    %dma_wait3A_168 = tpu.memref_slice %arg6[%dma_wait3A_164, %dma_wait3A_166, %dma_wait3A_167] : memref<8x128x64xf32, #tpu.memory_space<vmem>> -> memref<1x128x64xf32, #tpu.memory_space<vmem>>
    %dma_wait3A_169 = tpu.memref_squeeze %dma_wait3A_168 : memref<1x128x64xf32, #tpu.memory_space<vmem>> -> memref<128x64xf32, #tpu.memory_space<vmem>>
    %dma_wait3A_170 = arith.constant 0 : i32
    %dma_wait3A_171 = arith.constant 0 : i32
    %dma_wait3A_172 = tpu.memref_slice %arg3[%dma_wait3A_170, %dma_wait3A_171] : memref<1000001x64xf32, #tpu.memory_space<hbm>> -> memref<128x64xf32, #tpu.memory_space<hbm>>
    %dma_wait3A_173 = tpu.memref_slice %arg7[%dma_wait3A_165] : memref<8x!tpu.dma_semaphore, #tpu.memory_space<semaphore_mem>> -> memref<1x!tpu.dma_semaphore, #tpu.memory_space<semaphore_mem>>
    %dma_wait3A_174 = tpu.memref_squeeze %dma_wait3A_173 : memref<1x!tpu.dma_semaphore, #tpu.memory_space<semaphore_mem>> -> memref<!tpu.dma_semaphore, #tpu.memory_space<semaphore_mem>>
    %dma_wait3A_175 = arith.constant 0 : i32
    %dma_wait3A_176 = arith.constant 0 : i32
    %dma_wait3A_177 = tpu.memref_slice %arg6[%dma_wait3A_164, %dma_wait3A_175, %dma_wait3A_176] : memref<8x128x64xf32, #tpu.memory_space<vmem>> -> memref<1x128x64xf32, #tpu.memory_space<vmem>>
    %dma_wait3A_178 = tpu.memref_squeeze %dma_wait3A_177 : memref<1x128x64xf32, #tpu.memory_space<vmem>> -> memref<128x64xf32, #tpu.memory_space<vmem>>
    %dma_wait3A_179 = arith.constant 0 : i32
    %dma_wait3A_180 = arith.constant 0 : i32
    %dma_wait3A_181 = tpu.memref_slice %arg3[%dma_wait3A_179, %dma_wait3A_180] : memref<1000001x64xf32, #tpu.memory_space<hbm>> -> memref<128x64xf32, #tpu.memory_space<hbm>>
    tpu.wait_dma2 semaphore(%dma_wait3A_174 : memref<!tpu.dma_semaphore, #tpu.memory_space<semaphore_mem>>) src(%dma_wait3A_181 : memref<128x64xf32, #tpu.memory_space<hbm>>) dst(%dma_wait3A_178 : memref<128x64xf32, #tpu.memory_space<vmem>>)
    %add3A_182 = arith.constant 193 : i32
    %add3A_183 = arith.addi %mul3A_2, %add3A_182 : i32
    %mul3A_184 = arith.constant 128 : i32
    %mul3A_185 = arith.muli %add3A_183, %mul3A_184 : i32
    %dma_start3A_186 = arith.constant 1 : i32
    %dma_start3A_187 = arith.constant 1 : i32
    %dma_start3A_188 = arith.constant 0 : i32
    %dma_start3A_189 = arith.constant 0 : i32
    %dma_start3A_190 = tpu.memref_slice %arg6[%dma_start3A_186, %dma_start3A_188, %dma_start3A_189] : memref<8x128x64xf32, #tpu.memory_space<vmem>> -> memref<1x128x64xf32, #tpu.memory_space<vmem>>
    %dma_start3A_191 = tpu.memref_squeeze %dma_start3A_190 : memref<1x128x64xf32, #tpu.memory_space<vmem>> -> memref<128x64xf32, #tpu.memory_space<vmem>>
    %dma_start3A_192 = arith.constant 0 : i32
    %dma_start3A_193 = tpu.memref_slice %arg4[%mul3A_185, %dma_start3A_192] : memref<819200x128xf32, #tpu.memory_space<hbm>> -> memref<128x64xf32, #tpu.memory_space<hbm>>
    %dma_start3A_194 = tpu.memref_slice %arg8[%dma_start3A_187] : memref<8x!tpu.dma_semaphore, #tpu.memory_space<semaphore_mem>> -> memref<1x!tpu.dma_semaphore, #tpu.memory_space<semaphore_mem>>
    %dma_start3A_195 = tpu.memref_squeeze %dma_start3A_194 : memref<1x!tpu.dma_semaphore, #tpu.memory_space<semaphore_mem>> -> memref<!tpu.dma_semaphore, #tpu.memory_space<semaphore_mem>>
    %dma_start3A_196 = arith.constant 0 : i32
    %dma_start3A_197 = tpu.memref_slice %arg4[%mul3A_185, %dma_start3A_196] : memref<819200x128xf32, #tpu.memory_space<hbm>> -> memref<128x64xf32, #tpu.memory_space<hbm>>
    %dma_start3A_198 = arith.constant 0 : i32
    %dma_start3A_199 = arith.constant 0 : i32
    %dma_start3A_200 = tpu.memref_slice %arg6[%dma_start3A_186, %dma_start3A_198, %dma_start3A_199] : memref<8x128x64xf32, #tpu.memory_space<vmem>> -> memref<1x128x64xf32, #tpu.memory_space<vmem>>
    %dma_start3A_201 = tpu.memref_squeeze %dma_start3A_200 : memref<1x128x64xf32, #tpu.memory_space<vmem>> -> memref<128x64xf32, #tpu.memory_space<vmem>>
    tpu.enqueue_dma source(%dma_start3A_201 : memref<128x64xf32, #tpu.memory_space<vmem>>) target(%dma_start3A_197 : memref<128x64xf32, #tpu.memory_space<hbm>>) target_semaphore(%dma_start3A_195 : memref<!tpu.dma_semaphore, #tpu.memory_space<semaphore_mem>>)
    %dma_wait3A_202 = arith.constant 2 : i32
    %dma_wait3A_203 = arith.constant 2 : i32
    %dma_wait3A_204 = arith.constant 0 : i32
    %dma_wait3A_205 = arith.constant 0 : i32
    %dma_wait3A_206 = tpu.memref_slice %arg6[%dma_wait3A_202, %dma_wait3A_204, %dma_wait3A_205] : memref<8x128x64xf32, #tpu.memory_space<vmem>> -> memref<1x128x64xf32, #tpu.memory_space<vmem>>
    %dma_wait3A_207 = tpu.memref_squeeze %dma_wait3A_206 : memref<1x128x64xf32, #tpu.memory_space<vmem>> -> memref<128x64xf32, #tpu.memory_space<vmem>>
    %dma_wait3A_208 = arith.constant 0 : i32
    %dma_wait3A_209 = arith.constant 0 : i32
    %dma_wait3A_210 = tpu.memref_slice %arg3[%dma_wait3A_208, %dma_wait3A_209] : memref<1000001x64xf32, #tpu.memory_space<hbm>> -> memref<128x64xf32, #tpu.memory_space<hbm>>
    %dma_wait3A_211 = tpu.memref_slice %arg7[%dma_wait3A_203] : memref<8x!tpu.dma_semaphore, #tpu.memory_space<semaphore_mem>> -> memref<1x!tpu.dma_semaphore, #tpu.memory_space<semaphore_mem>>
    %dma_wait3A_212 = tpu.memref_squeeze %dma_wait3A_211 : memref<1x!tpu.dma_semaphore, #tpu.memory_space<semaphore_mem>> -> memref<!tpu.dma_semaphore, #tpu.memory_space<semaphore_mem>>
    %dma_wait3A_213 = arith.constant 0 : i32
    %dma_wait3A_214 = arith.constant 0 : i32
    %dma_wait3A_215 = tpu.memref_slice %arg6[%dma_wait3A_202, %dma_wait3A_213, %dma_wait3A_214] : memref<8x128x64xf32, #tpu.memory_space<vmem>> -> memref<1x128x64xf32, #tpu.memory_space<vmem>>
    %dma_wait3A_216 = tpu.memref_squeeze %dma_wait3A_215 : memref<1x128x64xf32, #tpu.memory_space<vmem>> -> memref<128x64xf32, #tpu.memory_space<vmem>>
    %dma_wait3A_217 = arith.constant 0 : i32
    %dma_wait3A_218 = arith.constant 0 : i32
    %dma_wait3A_219 = tpu.memref_slice %arg3[%dma_wait3A_217, %dma_wait3A_218] : memref<1000001x64xf32, #tpu.memory_space<hbm>> -> memref<128x64xf32, #tpu.memory_space<hbm>>
    tpu.wait_dma2 semaphore(%dma_wait3A_212 : memref<!tpu.dma_semaphore, #tpu.memory_space<semaphore_mem>>) src(%dma_wait3A_219 : memref<128x64xf32, #tpu.memory_space<hbm>>) dst(%dma_wait3A_216 : memref<128x64xf32, #tpu.memory_space<vmem>>)
    %add3A_220 = arith.constant 194 : i32
    %add3A_221 = arith.addi %mul3A_2, %add3A_220 : i32
    %mul3A_222 = arith.constant 128 : i32
    %mul3A_223 = arith.muli %add3A_221, %mul3A_222 : i32
    %dma_start3A_224 = arith.constant 2 : i32
    %dma_start3A_225 = arith.constant 2 : i32
    %dma_start3A_226 = arith.constant 0 : i32
    %dma_start3A_227 = arith.constant 0 : i32
    %dma_start3A_228 = tpu.memref_slice %arg6[%dma_start3A_224, %dma_start3A_226, %dma_start3A_227] : memref<8x128x64xf32, #tpu.memory_space<vmem>> -> memref<1x128x64xf32, #tpu.memory_space<vmem>>
    %dma_start3A_229 = tpu.memref_squeeze %dma_start3A_228 : memref<1x128x64xf32, #tpu.memory_space<vmem>> -> memref<128x64xf32, #tpu.memory_space<vmem>>
    %dma_start3A_230 = arith.constant 0 : i32
    %dma_start3A_231 = tpu.memref_slice %arg4[%mul3A_223, %dma_start3A_230] : memref<819200x128xf32, #tpu.memory_space<hbm>> -> memref<128x64xf32, #tpu.memory_space<hbm>>
    %dma_start3A_232 = tpu.memref_slice %arg8[%dma_start3A_225] : memref<8x!tpu.dma_semaphore, #tpu.memory_space<semaphore_mem>> -> memref<1x!tpu.dma_semaphore, #tpu.memory_space<semaphore_mem>>
    %dma_start3A_233 = tpu.memref_squeeze %dma_start3A_232 : memref<1x!tpu.dma_semaphore, #tpu.memory_space<semaphore_mem>> -> memref<!tpu.dma_semaphore, #tpu.memory_space<semaphore_mem>>
    %dma_start3A_234 = arith.constant 0 : i32
    %dma_start3A_235 = tpu.memref_slice %arg4[%mul3A_223, %dma_start3A_234] : memref<819200x128xf32, #tpu.memory_space<hbm>> -> memref<128x64xf32, #tpu.memory_space<hbm>>
    %dma_start3A_236 = arith.constant 0 : i32
    %dma_start3A_237 = arith.constant 0 : i32
    %dma_start3A_238 = tpu.memref_slice %arg6[%dma_start3A_224, %dma_start3A_236, %dma_start3A_237] : memref<8x128x64xf32, #tpu.memory_space<vmem>> -> memref<1x128x64xf32, #tpu.memory_space<vmem>>
    %dma_start3A_239 = tpu.memref_squeeze %dma_start3A_238 : memref<1x128x64xf32, #tpu.memory_space<vmem>> -> memref<128x64xf32, #tpu.memory_space<vmem>>
    tpu.enqueue_dma source(%dma_start3A_239 : memref<128x64xf32, #tpu.memory_space<vmem>>) target(%dma_start3A_235 : memref<128x64xf32, #tpu.memory_space<hbm>>) target_semaphore(%dma_start3A_233 : memref<!tpu.dma_semaphore, #tpu.memory_space<semaphore_mem>>)
    %dma_wait3A_240 = arith.constant 3 : i32
    %dma_wait3A_241 = arith.constant 3 : i32
    %dma_wait3A_242 = arith.constant 0 : i32
    %dma_wait3A_243 = arith.constant 0 : i32
    %dma_wait3A_244 = tpu.memref_slice %arg6[%dma_wait3A_240, %dma_wait3A_242, %dma_wait3A_243] : memref<8x128x64xf32, #tpu.memory_space<vmem>> -> memref<1x128x64xf32, #tpu.memory_space<vmem>>
    %dma_wait3A_245 = tpu.memref_squeeze %dma_wait3A_244 : memref<1x128x64xf32, #tpu.memory_space<vmem>> -> memref<128x64xf32, #tpu.memory_space<vmem>>
    %dma_wait3A_246 = arith.constant 0 : i32
    %dma_wait3A_247 = arith.constant 0 : i32
    %dma_wait3A_248 = tpu.memref_slice %arg3[%dma_wait3A_246, %dma_wait3A_247] : memref<1000001x64xf32, #tpu.memory_space<hbm>> -> memref<128x64xf32, #tpu.memory_space<hbm>>
    %dma_wait3A_249 = tpu.memref_slice %arg7[%dma_wait3A_241] : memref<8x!tpu.dma_semaphore, #tpu.memory_space<semaphore_mem>> -> memref<1x!tpu.dma_semaphore, #tpu.memory_space<semaphore_mem>>
    %dma_wait3A_250 = tpu.memref_squeeze %dma_wait3A_249 : memref<1x!tpu.dma_semaphore, #tpu.memory_space<semaphore_mem>> -> memref<!tpu.dma_semaphore, #tpu.memory_space<semaphore_mem>>
    %dma_wait3A_251 = arith.constant 0 : i32
    %dma_wait3A_252 = arith.constant 0 : i32
    %dma_wait3A_253 = tpu.memref_slice %arg6[%dma_wait3A_240, %dma_wait3A_251, %dma_wait3A_252] : memref<8x128x64xf32, #tpu.memory_space<vmem>> -> memref<1x128x64xf32, #tpu.memory_space<vmem>>
    %dma_wait3A_254 = tpu.memref_squeeze %dma_wait3A_253 : memref<1x128x64xf32, #tpu.memory_space<vmem>> -> memref<128x64xf32, #tpu.memory_space<vmem>>
    %dma_wait3A_255 = arith.constant 0 : i32
    %dma_wait3A_256 = arith.constant 0 : i32
    %dma_wait3A_257 = tpu.memref_slice %arg3[%dma_wait3A_255, %dma_wait3A_256] : memref<1000001x64xf32, #tpu.memory_space<hbm>> -> memref<128x64xf32, #tpu.memory_space<hbm>>
    tpu.wait_dma2 semaphore(%dma_wait3A_250 : memref<!tpu.dma_semaphore, #tpu.memory_space<semaphore_mem>>) src(%dma_wait3A_257 : memref<128x64xf32, #tpu.memory_space<hbm>>) dst(%dma_wait3A_254 : memref<128x64xf32, #tpu.memory_space<vmem>>)
    %add3A_258 = arith.constant 195 : i32
    %add3A_259 = arith.addi %mul3A_2, %add3A_258 : i32
    %mul3A_260 = arith.constant 128 : i32
    %mul3A_261 = arith.muli %add3A_259, %mul3A_260 : i32
    %dma_start3A_262 = arith.constant 3 : i32
    %dma_start3A_263 = arith.constant 3 : i32
    %dma_start3A_264 = arith.constant 0 : i32
    %dma_start3A_265 = arith.constant 0 : i32
    %dma_start3A_266 = tpu.memref_slice %arg6[%dma_start3A_262, %dma_start3A_264, %dma_start3A_265] : memref<8x128x64xf32, #tpu.memory_space<vmem>> -> memref<1x128x64xf32, #tpu.memory_space<vmem>>
    %dma_start3A_267 = tpu.memref_squeeze %dma_start3A_266 : memref<1x128x64xf32, #tpu.memory_space<vmem>> -> memref<128x64xf32, #tpu.memory_space<vmem>>
    %dma_start3A_268 = arith.constant 0 : i32
    %dma_start3A_269 = tpu.memref_slice %arg4[%mul3A_261, %dma_start3A_268] : memref<819200x128xf32, #tpu.memory_space<hbm>> -> memref<128x64xf32, #tpu.memory_space<hbm>>
    %dma_start3A_270 = tpu.memref_slice %arg8[%dma_start3A_263] : memref<8x!tpu.dma_semaphore, #tpu.memory_space<semaphore_mem>> -> memref<1x!tpu.dma_semaphore, #tpu.memory_space<semaphore_mem>>
    %dma_start3A_271 = tpu.memref_squeeze %dma_start3A_270 : memref<1x!tpu.dma_semaphore, #tpu.memory_space<semaphore_mem>> -> memref<!tpu.dma_semaphore, #tpu.memory_space<semaphore_mem>>
    %dma_start3A_272 = arith.constant 0 : i32
    %dma_start3A_273 = tpu.memref_slice %arg4[%mul3A_261, %dma_start3A_272] : memref<819200x128xf32, #tpu.memory_space<hbm>> -> memref<128x64xf32, #tpu.memory_space<hbm>>
    %dma_start3A_274 = arith.constant 0 : i32
    %dma_start3A_275 = arith.constant 0 : i32
    %dma_start3A_276 = tpu.memref_slice %arg6[%dma_start3A_262, %dma_start3A_274, %dma_start3A_275] : memref<8x128x64xf32, #tpu.memory_space<vmem>> -> memref<1x128x64xf32, #tpu.memory_space<vmem>>
    %dma_start3A_277 = tpu.memref_squeeze %dma_start3A_276 : memref<1x128x64xf32, #tpu.memory_space<vmem>> -> memref<128x64xf32, #tpu.memory_space<vmem>>
    tpu.enqueue_dma source(%dma_start3A_277 : memref<128x64xf32, #tpu.memory_space<vmem>>) target(%dma_start3A_273 : memref<128x64xf32, #tpu.memory_space<hbm>>) target_semaphore(%dma_start3A_271 : memref<!tpu.dma_semaphore, #tpu.memory_space<semaphore_mem>>)
    %dma_wait3A_278 = arith.constant 4 : i32
    %dma_wait3A_279 = arith.constant 4 : i32
    %dma_wait3A_280 = arith.constant 0 : i32
    %dma_wait3A_281 = arith.constant 0 : i32
    %dma_wait3A_282 = tpu.memref_slice %arg6[%dma_wait3A_278, %dma_wait3A_280, %dma_wait3A_281] : memref<8x128x64xf32, #tpu.memory_space<vmem>> -> memref<1x128x64xf32, #tpu.memory_space<vmem>>
    %dma_wait3A_283 = tpu.memref_squeeze %dma_wait3A_282 : memref<1x128x64xf32, #tpu.memory_space<vmem>> -> memref<128x64xf32, #tpu.memory_space<vmem>>
    %dma_wait3A_284 = arith.constant 0 : i32
    %dma_wait3A_285 = arith.constant 0 : i32
    %dma_wait3A_286 = tpu.memref_slice %arg3[%dma_wait3A_284, %dma_wait3A_285] : memref<1000001x64xf32, #tpu.memory_space<hbm>> -> memref<128x64xf32, #tpu.memory_space<hbm>>
    %dma_wait3A_287 = tpu.memref_slice %arg7[%dma_wait3A_279] : memref<8x!tpu.dma_semaphore, #tpu.memory_space<semaphore_mem>> -> memref<1x!tpu.dma_semaphore, #tpu.memory_space<semaphore_mem>>
    %dma_wait3A_288 = tpu.memref_squeeze %dma_wait3A_287 : memref<1x!tpu.dma_semaphore, #tpu.memory_space<semaphore_mem>> -> memref<!tpu.dma_semaphore, #tpu.memory_space<semaphore_mem>>
    %dma_wait3A_289 = arith.constant 0 : i32
    %dma_wait3A_290 = arith.constant 0 : i32
    %dma_wait3A_291 = tpu.memref_slice %arg6[%dma_wait3A_278, %dma_wait3A_289, %dma_wait3A_290] : memref<8x128x64xf32, #tpu.memory_space<vmem>> -> memref<1x128x64xf32, #tpu.memory_space<vmem>>
    %dma_wait3A_292 = tpu.memref_squeeze %dma_wait3A_291 : memref<1x128x64xf32, #tpu.memory_space<vmem>> -> memref<128x64xf32, #tpu.memory_space<vmem>>
    %dma_wait3A_293 = arith.constant 0 : i32
    %dma_wait3A_294 = arith.constant 0 : i32
    %dma_wait3A_295 = tpu.memref_slice %arg3[%dma_wait3A_293, %dma_wait3A_294] : memref<1000001x64xf32, #tpu.memory_space<hbm>> -> memref<128x64xf32, #tpu.memory_space<hbm>>
    tpu.wait_dma2 semaphore(%dma_wait3A_288 : memref<!tpu.dma_semaphore, #tpu.memory_space<semaphore_mem>>) src(%dma_wait3A_295 : memref<128x64xf32, #tpu.memory_space<hbm>>) dst(%dma_wait3A_292 : memref<128x64xf32, #tpu.memory_space<vmem>>)
    %add3A_296 = arith.constant 196 : i32
    %add3A_297 = arith.addi %mul3A_2, %add3A_296 : i32
    %mul3A_298 = arith.constant 128 : i32
    %mul3A_299 = arith.muli %add3A_297, %mul3A_298 : i32
    %dma_start3A_300 = arith.constant 4 : i32
    %dma_start3A_301 = arith.constant 4 : i32
    %dma_start3A_302 = arith.constant 0 : i32
    %dma_start3A_303 = arith.constant 0 : i32
    %dma_start3A_304 = tpu.memref_slice %arg6[%dma_start3A_300, %dma_start3A_302, %dma_start3A_303] : memref<8x128x64xf32, #tpu.memory_space<vmem>> -> memref<1x128x64xf32, #tpu.memory_space<vmem>>
    %dma_start3A_305 = tpu.memref_squeeze %dma_start3A_304 : memref<1x128x64xf32, #tpu.memory_space<vmem>> -> memref<128x64xf32, #tpu.memory_space<vmem>>
    %dma_start3A_306 = arith.constant 0 : i32
    %dma_start3A_307 = tpu.memref_slice %arg4[%mul3A_299, %dma_start3A_306] : memref<819200x128xf32, #tpu.memory_space<hbm>> -> memref<128x64xf32, #tpu.memory_space<hbm>>
    %dma_start3A_308 = tpu.memref_slice %arg8[%dma_start3A_301] : memref<8x!tpu.dma_semaphore, #tpu.memory_space<semaphore_mem>> -> memref<1x!tpu.dma_semaphore, #tpu.memory_space<semaphore_mem>>
    %dma_start3A_309 = tpu.memref_squeeze %dma_start3A_308 : memref<1x!tpu.dma_semaphore, #tpu.memory_space<semaphore_mem>> -> memref<!tpu.dma_semaphore, #tpu.memory_space<semaphore_mem>>
    %dma_start3A_310 = arith.constant 0 : i32
    %dma_start3A_311 = tpu.memref_slice %arg4[%mul3A_299, %dma_start3A_310] : memref<819200x128xf32, #tpu.memory_space<hbm>> -> memref<128x64xf32, #tpu.memory_space<hbm>>
    %dma_start3A_312 = arith.constant 0 : i32
    %dma_start3A_313 = arith.constant 0 : i32
    %dma_start3A_314 = tpu.memref_slice %arg6[%dma_start3A_300, %dma_start3A_312, %dma_start3A_313] : memref<8x128x64xf32, #tpu.memory_space<vmem>> -> memref<1x128x64xf32, #tpu.memory_space<vmem>>
    %dma_start3A_315 = tpu.memref_squeeze %dma_start3A_314 : memref<1x128x64xf32, #tpu.memory_space<vmem>> -> memref<128x64xf32, #tpu.memory_space<vmem>>
    tpu.enqueue_dma source(%dma_start3A_315 : memref<128x64xf32, #tpu.memory_space<vmem>>) target(%dma_start3A_311 : memref<128x64xf32, #tpu.memory_space<hbm>>) target_semaphore(%dma_start3A_309 : memref<!tpu.dma_semaphore, #tpu.memory_space<semaphore_mem>>)
    %dma_wait3A_316 = arith.constant 5 : i32
    %dma_wait3A_317 = arith.constant 5 : i32
    %dma_wait3A_318 = arith.constant 0 : i32
    %dma_wait3A_319 = arith.constant 0 : i32
    %dma_wait3A_320 = tpu.memref_slice %arg6[%dma_wait3A_316, %dma_wait3A_318, %dma_wait3A_319] : memref<8x128x64xf32, #tpu.memory_space<vmem>> -> memref<1x128x64xf32, #tpu.memory_space<vmem>>
    %dma_wait3A_321 = tpu.memref_squeeze %dma_wait3A_320 : memref<1x128x64xf32, #tpu.memory_space<vmem>> -> memref<128x64xf32, #tpu.memory_space<vmem>>
    %dma_wait3A_322 = arith.constant 0 : i32
    %dma_wait3A_323 = arith.constant 0 : i32
    %dma_wait3A_324 = tpu.memref_slice %arg3[%dma_wait3A_322, %dma_wait3A_323] : memref<1000001x64xf32, #tpu.memory_space<hbm>> -> memref<128x64xf32, #tpu.memory_space<hbm>>
    %dma_wait3A_325 = tpu.memref_slice %arg7[%dma_wait3A_317] : memref<8x!tpu.dma_semaphore, #tpu.memory_space<semaphore_mem>> -> memref<1x!tpu.dma_semaphore, #tpu.memory_space<semaphore_mem>>
    %dma_wait3A_326 = tpu.memref_squeeze %dma_wait3A_325 : memref<1x!tpu.dma_semaphore, #tpu.memory_space<semaphore_mem>> -> memref<!tpu.dma_semaphore, #tpu.memory_space<semaphore_mem>>
    %dma_wait3A_327 = arith.constant 0 : i32
    %dma_wait3A_328 = arith.constant 0 : i32
    %dma_wait3A_329 = tpu.memref_slice %arg6[%dma_wait3A_316, %dma_wait3A_327, %dma_wait3A_328] : memref<8x128x64xf32, #tpu.memory_space<vmem>> -> memref<1x128x64xf32, #tpu.memory_space<vmem>>
    %dma_wait3A_330 = tpu.memref_squeeze %dma_wait3A_329 : memref<1x128x64xf32, #tpu.memory_space<vmem>> -> memref<128x64xf32, #tpu.memory_space<vmem>>
    %dma_wait3A_331 = arith.constant 0 : i32
    %dma_wait3A_332 = arith.constant 0 : i32
    %dma_wait3A_333 = tpu.memref_slice %arg3[%dma_wait3A_331, %dma_wait3A_332] : memref<1000001x64xf32, #tpu.memory_space<hbm>> -> memref<128x64xf32, #tpu.memory_space<hbm>>
    tpu.wait_dma2 semaphore(%dma_wait3A_326 : memref<!tpu.dma_semaphore, #tpu.memory_space<semaphore_mem>>) src(%dma_wait3A_333 : memref<128x64xf32, #tpu.memory_space<hbm>>) dst(%dma_wait3A_330 : memref<128x64xf32, #tpu.memory_space<vmem>>)
    %add3A_334 = arith.constant 197 : i32
    %add3A_335 = arith.addi %mul3A_2, %add3A_334 : i32
    %mul3A_336 = arith.constant 128 : i32
    %mul3A_337 = arith.muli %add3A_335, %mul3A_336 : i32
    %dma_start3A_338 = arith.constant 5 : i32
    %dma_start3A_339 = arith.constant 5 : i32
    %dma_start3A_340 = arith.constant 0 : i32
    %dma_start3A_341 = arith.constant 0 : i32
    %dma_start3A_342 = tpu.memref_slice %arg6[%dma_start3A_338, %dma_start3A_340, %dma_start3A_341] : memref<8x128x64xf32, #tpu.memory_space<vmem>> -> memref<1x128x64xf32, #tpu.memory_space<vmem>>
    %dma_start3A_343 = tpu.memref_squeeze %dma_start3A_342 : memref<1x128x64xf32, #tpu.memory_space<vmem>> -> memref<128x64xf32, #tpu.memory_space<vmem>>
    %dma_start3A_344 = arith.constant 0 : i32
    %dma_start3A_345 = tpu.memref_slice %arg4[%mul3A_337, %dma_start3A_344] : memref<819200x128xf32, #tpu.memory_space<hbm>> -> memref<128x64xf32, #tpu.memory_space<hbm>>
    %dma_start3A_346 = tpu.memref_slice %arg8[%dma_start3A_339] : memref<8x!tpu.dma_semaphore, #tpu.memory_space<semaphore_mem>> -> memref<1x!tpu.dma_semaphore, #tpu.memory_space<semaphore_mem>>
    %dma_start3A_347 = tpu.memref_squeeze %dma_start3A_346 : memref<1x!tpu.dma_semaphore, #tpu.memory_space<semaphore_mem>> -> memref<!tpu.dma_semaphore, #tpu.memory_space<semaphore_mem>>
    %dma_start3A_348 = arith.constant 0 : i32
    %dma_start3A_349 = tpu.memref_slice %arg4[%mul3A_337, %dma_start3A_348] : memref<819200x128xf32, #tpu.memory_space<hbm>> -> memref<128x64xf32, #tpu.memory_space<hbm>>
    %dma_start3A_350 = arith.constant 0 : i32
    %dma_start3A_351 = arith.constant 0 : i32
    %dma_start3A_352 = tpu.memref_slice %arg6[%dma_start3A_338, %dma_start3A_350, %dma_start3A_351] : memref<8x128x64xf32, #tpu.memory_space<vmem>> -> memref<1x128x64xf32, #tpu.memory_space<vmem>>
    %dma_start3A_353 = tpu.memref_squeeze %dma_start3A_352 : memref<1x128x64xf32, #tpu.memory_space<vmem>> -> memref<128x64xf32, #tpu.memory_space<vmem>>
    tpu.enqueue_dma source(%dma_start3A_353 : memref<128x64xf32, #tpu.memory_space<vmem>>) target(%dma_start3A_349 : memref<128x64xf32, #tpu.memory_space<hbm>>) target_semaphore(%dma_start3A_347 : memref<!tpu.dma_semaphore, #tpu.memory_space<semaphore_mem>>)
    %dma_wait3A_354 = arith.constant 6 : i32
    %dma_wait3A_355 = arith.constant 6 : i32
    %dma_wait3A_356 = arith.constant 0 : i32
    %dma_wait3A_357 = arith.constant 0 : i32
    %dma_wait3A_358 = tpu.memref_slice %arg6[%dma_wait3A_354, %dma_wait3A_356, %dma_wait3A_357] : memref<8x128x64xf32, #tpu.memory_space<vmem>> -> memref<1x128x64xf32, #tpu.memory_space<vmem>>
    %dma_wait3A_359 = tpu.memref_squeeze %dma_wait3A_358 : memref<1x128x64xf32, #tpu.memory_space<vmem>> -> memref<128x64xf32, #tpu.memory_space<vmem>>
    %dma_wait3A_360 = arith.constant 0 : i32
    %dma_wait3A_361 = arith.constant 0 : i32
    %dma_wait3A_362 = tpu.memref_slice %arg3[%dma_wait3A_360, %dma_wait3A_361] : memref<1000001x64xf32, #tpu.memory_space<hbm>> -> memref<128x64xf32, #tpu.memory_space<hbm>>
    %dma_wait3A_363 = tpu.memref_slice %arg7[%dma_wait3A_355] : memref<8x!tpu.dma_semaphore, #tpu.memory_space<semaphore_mem>> -> memref<1x!tpu.dma_semaphore, #tpu.memory_space<semaphore_mem>>
    %dma_wait3A_364 = tpu.memref_squeeze %dma_wait3A_363 : memref<1x!tpu.dma_semaphore, #tpu.memory_space<semaphore_mem>> -> memref<!tpu.dma_semaphore, #tpu.memory_space<semaphore_mem>>
    %dma_wait3A_365 = arith.constant 0 : i32
    %dma_wait3A_366 = arith.constant 0 : i32
    %dma_wait3A_367 = tpu.memref_slice %arg6[%dma_wait3A_354, %dma_wait3A_365, %dma_wait3A_366] : memref<8x128x64xf32, #tpu.memory_space<vmem>> -> memref<1x128x64xf32, #tpu.memory_space<vmem>>
    %dma_wait3A_368 = tpu.memref_squeeze %dma_wait3A_367 : memref<1x128x64xf32, #tpu.memory_space<vmem>> -> memref<128x64xf32, #tpu.memory_space<vmem>>
    %dma_wait3A_369 = arith.constant 0 : i32
    %dma_wait3A_370 = arith.constant 0 : i32
    %dma_wait3A_371 = tpu.memref_slice %arg3[%dma_wait3A_369, %dma_wait3A_370] : memref<1000001x64xf32, #tpu.memory_space<hbm>> -> memref<128x64xf32, #tpu.memory_space<hbm>>
    tpu.wait_dma2 semaphore(%dma_wait3A_364 : memref<!tpu.dma_semaphore, #tpu.memory_space<semaphore_mem>>) src(%dma_wait3A_371 : memref<128x64xf32, #tpu.memory_space<hbm>>) dst(%dma_wait3A_368 : memref<128x64xf32, #tpu.memory_space<vmem>>)
    %add3A_372 = arith.constant 198 : i32
    %add3A_373 = arith.addi %mul3A_2, %add3A_372 : i32
    %mul3A_374 = arith.constant 128 : i32
    %mul3A_375 = arith.muli %add3A_373, %mul3A_374 : i32
    %dma_start3A_376 = arith.constant 6 : i32
    %dma_start3A_377 = arith.constant 6 : i32
    %dma_start3A_378 = arith.constant 0 : i32
    %dma_start3A_379 = arith.constant 0 : i32
    %dma_start3A_380 = tpu.memref_slice %arg6[%dma_start3A_376, %dma_start3A_378, %dma_start3A_379] : memref<8x128x64xf32, #tpu.memory_space<vmem>> -> memref<1x128x64xf32, #tpu.memory_space<vmem>>
    %dma_start3A_381 = tpu.memref_squeeze %dma_start3A_380 : memref<1x128x64xf32, #tpu.memory_space<vmem>> -> memref<128x64xf32, #tpu.memory_space<vmem>>
    %dma_start3A_382 = arith.constant 0 : i32
    %dma_start3A_383 = tpu.memref_slice %arg4[%mul3A_375, %dma_start3A_382] : memref<819200x128xf32, #tpu.memory_space<hbm>> -> memref<128x64xf32, #tpu.memory_space<hbm>>
    %dma_start3A_384 = tpu.memref_slice %arg8[%dma_start3A_377] : memref<8x!tpu.dma_semaphore, #tpu.memory_space<semaphore_mem>> -> memref<1x!tpu.dma_semaphore, #tpu.memory_space<semaphore_mem>>
    %dma_start3A_385 = tpu.memref_squeeze %dma_start3A_384 : memref<1x!tpu.dma_semaphore, #tpu.memory_space<semaphore_mem>> -> memref<!tpu.dma_semaphore, #tpu.memory_space<semaphore_mem>>
    %dma_start3A_386 = arith.constant 0 : i32
    %dma_start3A_387 = tpu.memref_slice %arg4[%mul3A_375, %dma_start3A_386] : memref<819200x128xf32, #tpu.memory_space<hbm>> -> memref<128x64xf32, #tpu.memory_space<hbm>>
    %dma_start3A_388 = arith.constant 0 : i32
    %dma_start3A_389 = arith.constant 0 : i32
    %dma_start3A_390 = tpu.memref_slice %arg6[%dma_start3A_376, %dma_start3A_388, %dma_start3A_389] : memref<8x128x64xf32, #tpu.memory_space<vmem>> -> memref<1x128x64xf32, #tpu.memory_space<vmem>>
    %dma_start3A_391 = tpu.memref_squeeze %dma_start3A_390 : memref<1x128x64xf32, #tpu.memory_space<vmem>> -> memref<128x64xf32, #tpu.memory_space<vmem>>
    tpu.enqueue_dma source(%dma_start3A_391 : memref<128x64xf32, #tpu.memory_space<vmem>>) target(%dma_start3A_387 : memref<128x64xf32, #tpu.memory_space<hbm>>) target_semaphore(%dma_start3A_385 : memref<!tpu.dma_semaphore, #tpu.memory_space<semaphore_mem>>)
    %dma_wait3A_392 = arith.constant 7 : i32
    %dma_wait3A_393 = arith.constant 7 : i32
    %dma_wait3A_394 = arith.constant 0 : i32
    %dma_wait3A_395 = arith.constant 0 : i32
    %dma_wait3A_396 = tpu.memref_slice %arg6[%dma_wait3A_392, %dma_wait3A_394, %dma_wait3A_395] : memref<8x128x64xf32, #tpu.memory_space<vmem>> -> memref<1x128x64xf32, #tpu.memory_space<vmem>>
    %dma_wait3A_397 = tpu.memref_squeeze %dma_wait3A_396 : memref<1x128x64xf32, #tpu.memory_space<vmem>> -> memref<128x64xf32, #tpu.memory_space<vmem>>
    %dma_wait3A_398 = arith.constant 0 : i32
    %dma_wait3A_399 = arith.constant 0 : i32
    %dma_wait3A_400 = tpu.memref_slice %arg3[%dma_wait3A_398, %dma_wait3A_399] : memref<1000001x64xf32, #tpu.memory_space<hbm>> -> memref<128x64xf32, #tpu.memory_space<hbm>>
    %dma_wait3A_401 = tpu.memref_slice %arg7[%dma_wait3A_393] : memref<8x!tpu.dma_semaphore, #tpu.memory_space<semaphore_mem>> -> memref<1x!tpu.dma_semaphore, #tpu.memory_space<semaphore_mem>>
    %dma_wait3A_402 = tpu.memref_squeeze %dma_wait3A_401 : memref<1x!tpu.dma_semaphore, #tpu.memory_space<semaphore_mem>> -> memref<!tpu.dma_semaphore, #tpu.memory_space<semaphore_mem>>
    %dma_wait3A_403 = arith.constant 0 : i32
    %dma_wait3A_404 = arith.constant 0 : i32
    %dma_wait3A_405 = tpu.memref_slice %arg6[%dma_wait3A_392, %dma_wait3A_403, %dma_wait3A_404] : memref<8x128x64xf32, #tpu.memory_space<vmem>> -> memref<1x128x64xf32, #tpu.memory_space<vmem>>
    %dma_wait3A_406 = tpu.memref_squeeze %dma_wait3A_405 : memref<1x128x64xf32, #tpu.memory_space<vmem>> -> memref<128x64xf32, #tpu.memory_space<vmem>>
    %dma_wait3A_407 = arith.constant 0 : i32
    %dma_wait3A_408 = arith.constant 0 : i32
    %dma_wait3A_409 = tpu.memref_slice %arg3[%dma_wait3A_407, %dma_wait3A_408] : memref<1000001x64xf32, #tpu.memory_space<hbm>> -> memref<128x64xf32, #tpu.memory_space<hbm>>
    tpu.wait_dma2 semaphore(%dma_wait3A_402 : memref<!tpu.dma_semaphore, #tpu.memory_space<semaphore_mem>>) src(%dma_wait3A_409 : memref<128x64xf32, #tpu.memory_space<hbm>>) dst(%dma_wait3A_406 : memref<128x64xf32, #tpu.memory_space<vmem>>)
    %add3A_410 = arith.constant 199 : i32
    %add3A_411 = arith.addi %mul3A_2, %add3A_410 : i32
    %mul3A_412 = arith.constant 128 : i32
    %mul3A_413 = arith.muli %add3A_411, %mul3A_412 : i32
    %dma_start3A_414 = arith.constant 7 : i32
    %dma_start3A_415 = arith.constant 7 : i32
    %dma_start3A_416 = arith.constant 0 : i32
    %dma_start3A_417 = arith.constant 0 : i32
    %dma_start3A_418 = tpu.memref_slice %arg6[%dma_start3A_414, %dma_start3A_416, %dma_start3A_417] : memref<8x128x64xf32, #tpu.memory_space<vmem>> -> memref<1x128x64xf32, #tpu.memory_space<vmem>>
    %dma_start3A_419 = tpu.memref_squeeze %dma_start3A_418 : memref<1x128x64xf32, #tpu.memory_space<vmem>> -> memref<128x64xf32, #tpu.memory_space<vmem>>
    %dma_start3A_420 = arith.constant 0 : i32
    %dma_start3A_421 = tpu.memref_slice %arg4[%mul3A_413, %dma_start3A_420] : memref<819200x128xf32, #tpu.memory_space<hbm>> -> memref<128x64xf32, #tpu.memory_space<hbm>>
    %dma_start3A_422 = tpu.memref_slice %arg8[%dma_start3A_415] : memref<8x!tpu.dma_semaphore, #tpu.memory_space<semaphore_mem>> -> memref<1x!tpu.dma_semaphore, #tpu.memory_space<semaphore_mem>>
    %dma_start3A_423 = tpu.memref_squeeze %dma_start3A_422 : memref<1x!tpu.dma_semaphore, #tpu.memory_space<semaphore_mem>> -> memref<!tpu.dma_semaphore, #tpu.memory_space<semaphore_mem>>
    %dma_start3A_424 = arith.constant 0 : i32
    %dma_start3A_425 = tpu.memref_slice %arg4[%mul3A_413, %dma_start3A_424] : memref<819200x128xf32, #tpu.memory_space<hbm>> -> memref<128x64xf32, #tpu.memory_space<hbm>>
    %dma_start3A_426 = arith.constant 0 : i32
    %dma_start3A_427 = arith.constant 0 : i32
    %dma_start3A_428 = tpu.memref_slice %arg6[%dma_start3A_414, %dma_start3A_426, %dma_start3A_427] : memref<8x128x64xf32, #tpu.memory_space<vmem>> -> memref<1x128x64xf32, #tpu.memory_space<vmem>>
    %dma_start3A_429 = tpu.memref_squeeze %dma_start3A_428 : memref<1x128x64xf32, #tpu.memory_space<vmem>> -> memref<128x64xf32, #tpu.memory_space<vmem>>
    tpu.enqueue_dma source(%dma_start3A_429 : memref<128x64xf32, #tpu.memory_space<vmem>>) target(%dma_start3A_425 : memref<128x64xf32, #tpu.memory_space<hbm>>) target_semaphore(%dma_start3A_423 : memref<!tpu.dma_semaphore, #tpu.memory_space<semaphore_mem>>)
    %dma_wait3A_430 = arith.constant 0 : i32
    %dma_wait3A_431 = arith.constant 0 : i32
    %dma_wait3A_432 = arith.constant 0 : i32
    %dma_wait3A_433 = arith.constant 0 : i32
    %dma_wait3A_434 = tpu.memref_slice %arg6[%dma_wait3A_430, %dma_wait3A_432, %dma_wait3A_433] : memref<8x128x64xf32, #tpu.memory_space<vmem>> -> memref<1x128x64xf32, #tpu.memory_space<vmem>>
    %dma_wait3A_435 = tpu.memref_squeeze %dma_wait3A_434 : memref<1x128x64xf32, #tpu.memory_space<vmem>> -> memref<128x64xf32, #tpu.memory_space<vmem>>
    %dma_wait3A_436 = arith.constant 0 : i32
    %dma_wait3A_437 = arith.constant 0 : i32
    %dma_wait3A_438 = tpu.memref_slice %arg4[%dma_wait3A_436, %dma_wait3A_437] : memref<819200x128xf32, #tpu.memory_space<hbm>> -> memref<128x64xf32, #tpu.memory_space<hbm>>
    %dma_wait3A_439 = tpu.memref_slice %arg8[%dma_wait3A_431] : memref<8x!tpu.dma_semaphore, #tpu.memory_space<semaphore_mem>> -> memref<1x!tpu.dma_semaphore, #tpu.memory_space<semaphore_mem>>
    %dma_wait3A_440 = tpu.memref_squeeze %dma_wait3A_439 : memref<1x!tpu.dma_semaphore, #tpu.memory_space<semaphore_mem>> -> memref<!tpu.dma_semaphore, #tpu.memory_space<semaphore_mem>>
    %dma_wait3A_441 = arith.constant 0 : i32
    %dma_wait3A_442 = arith.constant 0 : i32
    %dma_wait3A_443 = tpu.memref_slice %arg4[%dma_wait3A_441, %dma_wait3A_442] : memref<819200x128xf32, #tpu.memory_space<hbm>> -> memref<128x64xf32, #tpu.memory_space<hbm>>
    %dma_wait3A_444 = arith.constant 0 : i32
    %dma_wait3A_445 = arith.constant 0 : i32
    %dma_wait3A_446 = tpu.memref_slice %arg6[%dma_wait3A_430, %dma_wait3A_444, %dma_wait3A_445] : memref<8x128x64xf32, #tpu.memory_space<vmem>> -> memref<1x128x64xf32, #tpu.memory_space<vmem>>
    %dma_wait3A_447 = tpu.memref_squeeze %dma_wait3A_446 : memref<1x128x64xf32, #tpu.memory_space<vmem>> -> memref<128x64xf32, #tpu.memory_space<vmem>>
    tpu.wait_dma2 semaphore(%dma_wait3A_440 : memref<!tpu.dma_semaphore, #tpu.memory_space<semaphore_mem>>) src(%dma_wait3A_447 : memref<128x64xf32, #tpu.memory_space<vmem>>) dst(%dma_wait3A_443 : memref<128x64xf32, #tpu.memory_space<hbm>>)
    %dma_wait3A_448 = arith.constant 1 : i32
    %dma_wait3A_449 = arith.constant 1 : i32
    %dma_wait3A_450 = arith.constant 0 : i32
    %dma_wait3A_451 = arith.constant 0 : i32
    %dma_wait3A_452 = tpu.memref_slice %arg6[%dma_wait3A_448, %dma_wait3A_450, %dma_wait3A_451] : memref<8x128x64xf32, #tpu.memory_space<vmem>> -> memref<1x128x64xf32, #tpu.memory_space<vmem>>
    %dma_wait3A_453 = tpu.memref_squeeze %dma_wait3A_452 : memref<1x128x64xf32, #tpu.memory_space<vmem>> -> memref<128x64xf32, #tpu.memory_space<vmem>>
    %dma_wait3A_454 = arith.constant 0 : i32
    %dma_wait3A_455 = arith.constant 0 : i32
    %dma_wait3A_456 = tpu.memref_slice %arg4[%dma_wait3A_454, %dma_wait3A_455] : memref<819200x128xf32, #tpu.memory_space<hbm>> -> memref<128x64xf32, #tpu.memory_space<hbm>>
    %dma_wait3A_457 = tpu.memref_slice %arg8[%dma_wait3A_449] : memref<8x!tpu.dma_semaphore, #tpu.memory_space<semaphore_mem>> -> memref<1x!tpu.dma_semaphore, #tpu.memory_space<semaphore_mem>>
    %dma_wait3A_458 = tpu.memref_squeeze %dma_wait3A_457 : memref<1x!tpu.dma_semaphore, #tpu.memory_space<semaphore_mem>> -> memref<!tpu.dma_semaphore, #tpu.memory_space<semaphore_mem>>
    %dma_wait3A_459 = arith.constant 0 : i32
    %dma_wait3A_460 = arith.constant 0 : i32
    %dma_wait3A_461 = tpu.memref_slice %arg4[%dma_wait3A_459, %dma_wait3A_460] : memref<819200x128xf32, #tpu.memory_space<hbm>> -> memref<128x64xf32, #tpu.memory_space<hbm>>
    %dma_wait3A_462 = arith.constant 0 : i32
    %dma_wait3A_463 = arith.constant 0 : i32
    %dma_wait3A_464 = tpu.memref_slice %arg6[%dma_wait3A_448, %dma_wait3A_462, %dma_wait3A_463] : memref<8x128x64xf32, #tpu.memory_space<vmem>> -> memref<1x128x64xf32, #tpu.memory_space<vmem>>
    %dma_wait3A_465 = tpu.memref_squeeze %dma_wait3A_464 : memref<1x128x64xf32, #tpu.memory_space<vmem>> -> memref<128x64xf32, #tpu.memory_space<vmem>>
    tpu.wait_dma2 semaphore(%dma_wait3A_458 : memref<!tpu.dma_semaphore, #tpu.memory_space<semaphore_mem>>) src(%dma_wait3A_465 : memref<128x64xf32, #tpu.memory_space<vmem>>) dst(%dma_wait3A_461 : memref<128x64xf32, #tpu.memory_space<hbm>>)
    %dma_wait3A_466 = arith.constant 2 : i32
    %dma_wait3A_467 = arith.constant 2 : i32
    %dma_wait3A_468 = arith.constant 0 : i32
    %dma_wait3A_469 = arith.constant 0 : i32
    %dma_wait3A_470 = tpu.memref_slice %arg6[%dma_wait3A_466, %dma_wait3A_468, %dma_wait3A_469] : memref<8x128x64xf32, #tpu.memory_space<vmem>> -> memref<1x128x64xf32, #tpu.memory_space<vmem>>
    %dma_wait3A_471 = tpu.memref_squeeze %dma_wait3A_470 : memref<1x128x64xf32, #tpu.memory_space<vmem>> -> memref<128x64xf32, #tpu.memory_space<vmem>>
    %dma_wait3A_472 = arith.constant 0 : i32
    %dma_wait3A_473 = arith.constant 0 : i32
    %dma_wait3A_474 = tpu.memref_slice %arg4[%dma_wait3A_472, %dma_wait3A_473] : memref<819200x128xf32, #tpu.memory_space<hbm>> -> memref<128x64xf32, #tpu.memory_space<hbm>>
    %dma_wait3A_475 = tpu.memref_slice %arg8[%dma_wait3A_467] : memref<8x!tpu.dma_semaphore, #tpu.memory_space<semaphore_mem>> -> memref<1x!tpu.dma_semaphore, #tpu.memory_space<semaphore_mem>>
    %dma_wait3A_476 = tpu.memref_squeeze %dma_wait3A_475 : memref<1x!tpu.dma_semaphore, #tpu.memory_space<semaphore_mem>> -> memref<!tpu.dma_semaphore, #tpu.memory_space<semaphore_mem>>
    %dma_wait3A_477 = arith.constant 0 : i32
    %dma_wait3A_478 = arith.constant 0 : i32
    %dma_wait3A_479 = tpu.memref_slice %arg4[%dma_wait3A_477, %dma_wait3A_478] : memref<819200x128xf32, #tpu.memory_space<hbm>> -> memref<128x64xf32, #tpu.memory_space<hbm>>
    %dma_wait3A_480 = arith.constant 0 : i32
    %dma_wait3A_481 = arith.constant 0 : i32
    %dma_wait3A_482 = tpu.memref_slice %arg6[%dma_wait3A_466, %dma_wait3A_480, %dma_wait3A_481] : memref<8x128x64xf32, #tpu.memory_space<vmem>> -> memref<1x128x64xf32, #tpu.memory_space<vmem>>
    %dma_wait3A_483 = tpu.memref_squeeze %dma_wait3A_482 : memref<1x128x64xf32, #tpu.memory_space<vmem>> -> memref<128x64xf32, #tpu.memory_space<vmem>>
    tpu.wait_dma2 semaphore(%dma_wait3A_476 : memref<!tpu.dma_semaphore, #tpu.memory_space<semaphore_mem>>) src(%dma_wait3A_483 : memref<128x64xf32, #tpu.memory_space<vmem>>) dst(%dma_wait3A_479 : memref<128x64xf32, #tpu.memory_space<hbm>>)
    %dma_wait3A_484 = arith.constant 3 : i32
    %dma_wait3A_485 = arith.constant 3 : i32
    %dma_wait3A_486 = arith.constant 0 : i32
    %dma_wait3A_487 = arith.constant 0 : i32
    %dma_wait3A_488 = tpu.memref_slice %arg6[%dma_wait3A_484, %dma_wait3A_486, %dma_wait3A_487] : memref<8x128x64xf32, #tpu.memory_space<vmem>> -> memref<1x128x64xf32, #tpu.memory_space<vmem>>
    %dma_wait3A_489 = tpu.memref_squeeze %dma_wait3A_488 : memref<1x128x64xf32, #tpu.memory_space<vmem>> -> memref<128x64xf32, #tpu.memory_space<vmem>>
    %dma_wait3A_490 = arith.constant 0 : i32
    %dma_wait3A_491 = arith.constant 0 : i32
    %dma_wait3A_492 = tpu.memref_slice %arg4[%dma_wait3A_490, %dma_wait3A_491] : memref<819200x128xf32, #tpu.memory_space<hbm>> -> memref<128x64xf32, #tpu.memory_space<hbm>>
    %dma_wait3A_493 = tpu.memref_slice %arg8[%dma_wait3A_485] : memref<8x!tpu.dma_semaphore, #tpu.memory_space<semaphore_mem>> -> memref<1x!tpu.dma_semaphore, #tpu.memory_space<semaphore_mem>>
    %dma_wait3A_494 = tpu.memref_squeeze %dma_wait3A_493 : memref<1x!tpu.dma_semaphore, #tpu.memory_space<semaphore_mem>> -> memref<!tpu.dma_semaphore, #tpu.memory_space<semaphore_mem>>
    %dma_wait3A_495 = arith.constant 0 : i32
    %dma_wait3A_496 = arith.constant 0 : i32
    %dma_wait3A_497 = tpu.memref_slice %arg4[%dma_wait3A_495, %dma_wait3A_496] : memref<819200x128xf32, #tpu.memory_space<hbm>> -> memref<128x64xf32, #tpu.memory_space<hbm>>
    %dma_wait3A_498 = arith.constant 0 : i32
    %dma_wait3A_499 = arith.constant 0 : i32
    %dma_wait3A_500 = tpu.memref_slice %arg6[%dma_wait3A_484, %dma_wait3A_498, %dma_wait3A_499] : memref<8x128x64xf32, #tpu.memory_space<vmem>> -> memref<1x128x64xf32, #tpu.memory_space<vmem>>
    %dma_wait3A_501 = tpu.memref_squeeze %dma_wait3A_500 : memref<1x128x64xf32, #tpu.memory_space<vmem>> -> memref<128x64xf32, #tpu.memory_space<vmem>>
    tpu.wait_dma2 semaphore(%dma_wait3A_494 : memref<!tpu.dma_semaphore, #tpu.memory_space<semaphore_mem>>) src(%dma_wait3A_501 : memref<128x64xf32, #tpu.memory_space<vmem>>) dst(%dma_wait3A_497 : memref<128x64xf32, #tpu.memory_space<hbm>>)
    %dma_wait3A_502 = arith.constant 4 : i32
    %dma_wait3A_503 = arith.constant 4 : i32
    %dma_wait3A_504 = arith.constant 0 : i32
    %dma_wait3A_505 = arith.constant 0 : i32
    %dma_wait3A_506 = tpu.memref_slice %arg6[%dma_wait3A_502, %dma_wait3A_504, %dma_wait3A_505] : memref<8x128x64xf32, #tpu.memory_space<vmem>> -> memref<1x128x64xf32, #tpu.memory_space<vmem>>
    %dma_wait3A_507 = tpu.memref_squeeze %dma_wait3A_506 : memref<1x128x64xf32, #tpu.memory_space<vmem>> -> memref<128x64xf32, #tpu.memory_space<vmem>>
    %dma_wait3A_508 = arith.constant 0 : i32
    %dma_wait3A_509 = arith.constant 0 : i32
    %dma_wait3A_510 = tpu.memref_slice %arg4[%dma_wait3A_508, %dma_wait3A_509] : memref<819200x128xf32, #tpu.memory_space<hbm>> -> memref<128x64xf32, #tpu.memory_space<hbm>>
    %dma_wait3A_511 = tpu.memref_slice %arg8[%dma_wait3A_503] : memref<8x!tpu.dma_semaphore, #tpu.memory_space<semaphore_mem>> -> memref<1x!tpu.dma_semaphore, #tpu.memory_space<semaphore_mem>>
    %dma_wait3A_512 = tpu.memref_squeeze %dma_wait3A_511 : memref<1x!tpu.dma_semaphore, #tpu.memory_space<semaphore_mem>> -> memref<!tpu.dma_semaphore, #tpu.memory_space<semaphore_mem>>
    %dma_wait3A_513 = arith.constant 0 : i32
    %dma_wait3A_514 = arith.constant 0 : i32
    %dma_wait3A_515 = tpu.memref_slice %arg4[%dma_wait3A_513, %dma_wait3A_514] : memref<819200x128xf32, #tpu.memory_space<hbm>> -> memref<128x64xf32, #tpu.memory_space<hbm>>
    %dma_wait3A_516 = arith.constant 0 : i32
    %dma_wait3A_517 = arith.constant 0 : i32
    %dma_wait3A_518 = tpu.memref_slice %arg6[%dma_wait3A_502, %dma_wait3A_516, %dma_wait3A_517] : memref<8x128x64xf32, #tpu.memory_space<vmem>> -> memref<1x128x64xf32, #tpu.memory_space<vmem>>
    %dma_wait3A_519 = tpu.memref_squeeze %dma_wait3A_518 : memref<1x128x64xf32, #tpu.memory_space<vmem>> -> memref<128x64xf32, #tpu.memory_space<vmem>>
    tpu.wait_dma2 semaphore(%dma_wait3A_512 : memref<!tpu.dma_semaphore, #tpu.memory_space<semaphore_mem>>) src(%dma_wait3A_519 : memref<128x64xf32, #tpu.memory_space<vmem>>) dst(%dma_wait3A_515 : memref<128x64xf32, #tpu.memory_space<hbm>>)
    %dma_wait3A_520 = arith.constant 5 : i32
    %dma_wait3A_521 = arith.constant 5 : i32
    %dma_wait3A_522 = arith.constant 0 : i32
    %dma_wait3A_523 = arith.constant 0 : i32
    %dma_wait3A_524 = tpu.memref_slice %arg6[%dma_wait3A_520, %dma_wait3A_522, %dma_wait3A_523] : memref<8x128x64xf32, #tpu.memory_space<vmem>> -> memref<1x128x64xf32, #tpu.memory_space<vmem>>
    %dma_wait3A_525 = tpu.memref_squeeze %dma_wait3A_524 : memref<1x128x64xf32, #tpu.memory_space<vmem>> -> memref<128x64xf32, #tpu.memory_space<vmem>>
    %dma_wait3A_526 = arith.constant 0 : i32
    %dma_wait3A_527 = arith.constant 0 : i32
    %dma_wait3A_528 = tpu.memref_slice %arg4[%dma_wait3A_526, %dma_wait3A_527] : memref<819200x128xf32, #tpu.memory_space<hbm>> -> memref<128x64xf32, #tpu.memory_space<hbm>>
    %dma_wait3A_529 = tpu.memref_slice %arg8[%dma_wait3A_521] : memref<8x!tpu.dma_semaphore, #tpu.memory_space<semaphore_mem>> -> memref<1x!tpu.dma_semaphore, #tpu.memory_space<semaphore_mem>>
    %dma_wait3A_530 = tpu.memref_squeeze %dma_wait3A_529 : memref<1x!tpu.dma_semaphore, #tpu.memory_space<semaphore_mem>> -> memref<!tpu.dma_semaphore, #tpu.memory_space<semaphore_mem>>
    %dma_wait3A_531 = arith.constant 0 : i32
    %dma_wait3A_532 = arith.constant 0 : i32
    %dma_wait3A_533 = tpu.memref_slice %arg4[%dma_wait3A_531, %dma_wait3A_532] : memref<819200x128xf32, #tpu.memory_space<hbm>> -> memref<128x64xf32, #tpu.memory_space<hbm>>
    %dma_wait3A_534 = arith.constant 0 : i32
    %dma_wait3A_535 = arith.constant 0 : i32
    %dma_wait3A_536 = tpu.memref_slice %arg6[%dma_wait3A_520, %dma_wait3A_534, %dma_wait3A_535] : memref<8x128x64xf32, #tpu.memory_space<vmem>> -> memref<1x128x64xf32, #tpu.memory_space<vmem>>
    %dma_wait3A_537 = tpu.memref_squeeze %dma_wait3A_536 : memref<1x128x64xf32, #tpu.memory_space<vmem>> -> memref<128x64xf32, #tpu.memory_space<vmem>>
    tpu.wait_dma2 semaphore(%dma_wait3A_530 : memref<!tpu.dma_semaphore, #tpu.memory_space<semaphore_mem>>) src(%dma_wait3A_537 : memref<128x64xf32, #tpu.memory_space<vmem>>) dst(%dma_wait3A_533 : memref<128x64xf32, #tpu.memory_space<hbm>>)
    %dma_wait3A_538 = arith.constant 6 : i32
    %dma_wait3A_539 = arith.constant 6 : i32
    %dma_wait3A_540 = arith.constant 0 : i32
    %dma_wait3A_541 = arith.constant 0 : i32
    %dma_wait3A_542 = tpu.memref_slice %arg6[%dma_wait3A_538, %dma_wait3A_540, %dma_wait3A_541] : memref<8x128x64xf32, #tpu.memory_space<vmem>> -> memref<1x128x64xf32, #tpu.memory_space<vmem>>
    %dma_wait3A_543 = tpu.memref_squeeze %dma_wait3A_542 : memref<1x128x64xf32, #tpu.memory_space<vmem>> -> memref<128x64xf32, #tpu.memory_space<vmem>>
    %dma_wait3A_544 = arith.constant 0 : i32
    %dma_wait3A_545 = arith.constant 0 : i32
    %dma_wait3A_546 = tpu.memref_slice %arg4[%dma_wait3A_544, %dma_wait3A_545] : memref<819200x128xf32, #tpu.memory_space<hbm>> -> memref<128x64xf32, #tpu.memory_space<hbm>>
    %dma_wait3A_547 = tpu.memref_slice %arg8[%dma_wait3A_539] : memref<8x!tpu.dma_semaphore, #tpu.memory_space<semaphore_mem>> -> memref<1x!tpu.dma_semaphore, #tpu.memory_space<semaphore_mem>>
    %dma_wait3A_548 = tpu.memref_squeeze %dma_wait3A_547 : memref<1x!tpu.dma_semaphore, #tpu.memory_space<semaphore_mem>> -> memref<!tpu.dma_semaphore, #tpu.memory_space<semaphore_mem>>
    %dma_wait3A_549 = arith.constant 0 : i32
    %dma_wait3A_550 = arith.constant 0 : i32
    %dma_wait3A_551 = tpu.memref_slice %arg4[%dma_wait3A_549, %dma_wait3A_550] : memref<819200x128xf32, #tpu.memory_space<hbm>> -> memref<128x64xf32, #tpu.memory_space<hbm>>
    %dma_wait3A_552 = arith.constant 0 : i32
    %dma_wait3A_553 = arith.constant 0 : i32
    %dma_wait3A_554 = tpu.memref_slice %arg6[%dma_wait3A_538, %dma_wait3A_552, %dma_wait3A_553] : memref<8x128x64xf32, #tpu.memory_space<vmem>> -> memref<1x128x64xf32, #tpu.memory_space<vmem>>
    %dma_wait3A_555 = tpu.memref_squeeze %dma_wait3A_554 : memref<1x128x64xf32, #tpu.memory_space<vmem>> -> memref<128x64xf32, #tpu.memory_space<vmem>>
    tpu.wait_dma2 semaphore(%dma_wait3A_548 : memref<!tpu.dma_semaphore, #tpu.memory_space<semaphore_mem>>) src(%dma_wait3A_555 : memref<128x64xf32, #tpu.memory_space<vmem>>) dst(%dma_wait3A_551 : memref<128x64xf32, #tpu.memory_space<hbm>>)
    %dma_wait3A_556 = arith.constant 7 : i32
    %dma_wait3A_557 = arith.constant 7 : i32
    %dma_wait3A_558 = arith.constant 0 : i32
    %dma_wait3A_559 = arith.constant 0 : i32
    %dma_wait3A_560 = tpu.memref_slice %arg6[%dma_wait3A_556, %dma_wait3A_558, %dma_wait3A_559] : memref<8x128x64xf32, #tpu.memory_space<vmem>> -> memref<1x128x64xf32, #tpu.memory_space<vmem>>
    %dma_wait3A_561 = tpu.memref_squeeze %dma_wait3A_560 : memref<1x128x64xf32, #tpu.memory_space<vmem>> -> memref<128x64xf32, #tpu.memory_space<vmem>>
    %dma_wait3A_562 = arith.constant 0 : i32
    %dma_wait3A_563 = arith.constant 0 : i32
    %dma_wait3A_564 = tpu.memref_slice %arg4[%dma_wait3A_562, %dma_wait3A_563] : memref<819200x128xf32, #tpu.memory_space<hbm>> -> memref<128x64xf32, #tpu.memory_space<hbm>>
    %dma_wait3A_565 = tpu.memref_slice %arg8[%dma_wait3A_557] : memref<8x!tpu.dma_semaphore, #tpu.memory_space<semaphore_mem>> -> memref<1x!tpu.dma_semaphore, #tpu.memory_space<semaphore_mem>>
    %dma_wait3A_566 = tpu.memref_squeeze %dma_wait3A_565 : memref<1x!tpu.dma_semaphore, #tpu.memory_space<semaphore_mem>> -> memref<!tpu.dma_semaphore, #tpu.memory_space<semaphore_mem>>
    %dma_wait3A_567 = arith.constant 0 : i32
    %dma_wait3A_568 = arith.constant 0 : i32
    %dma_wait3A_569 = tpu.memref_slice %arg4[%dma_wait3A_567, %dma_wait3A_568] : memref<819200x128xf32, #tpu.memory_space<hbm>> -> memref<128x64xf32, #tpu.memory_space<hbm>>
    %dma_wait3A_570 = arith.constant 0 : i32
    %dma_wait3A_571 = arith.constant 0 : i32
    %dma_wait3A_572 = tpu.memref_slice %arg6[%dma_wait3A_556, %dma_wait3A_570, %dma_wait3A_571] : memref<8x128x64xf32, #tpu.memory_space<vmem>> -> memref<1x128x64xf32, #tpu.memory_space<vmem>>
    %dma_wait3A_573 = tpu.memref_squeeze %dma_wait3A_572 : memref<1x128x64xf32, #tpu.memory_space<vmem>> -> memref<128x64xf32, #tpu.memory_space<vmem>>
    tpu.wait_dma2 semaphore(%dma_wait3A_566 : memref<!tpu.dma_semaphore, #tpu.memory_space<semaphore_mem>>) src(%dma_wait3A_573 : memref<128x64xf32, #tpu.memory_space<vmem>>) dst(%dma_wait3A_569 : memref<128x64xf32, #tpu.memory_space<hbm>>)
    return
  }
}

</mosaic_0001>

<sc_bundles>
// kernel: _sc_gather.3.cloned.1.call-start
scs
__scs_entry_jumppad:
0x0: {  	(pc) =	sbr.rel $0x88, $3  }
0x1: {  	(tag) =	ssettag $0x0;
	lr =	simm.s32 $0x1  }
0x2: {  	[smem:$0x3F9F] =	sst lr;
	_ =	strace $0xD0000000  }
0x3: {  	_ = 	snop  }
0x4: {  	_ = 	snop  }
0x5: {  	_ = 	snop  }
0x6: {  	_ = 	snop  }
0x7: {  	_ = 	snop  }
__scs_overlays_trampoline_lowered:
0x8: {  	[smem:$0x3FAE] =	sst s0  }
0x9: {  	[smem:$0x3FAF] =	sst s1  }
0xa: {  	[smem:$0x3FB0] =	sst s2  }
0xb: {  	[smem:$0x3FB1] =	sst s3  }
0xc: {  	[smem:$0x3FB2] =	sst s4  }
0xd: {  	[smem:$0x3FB3] =	sst s5  }
0xe: {  	[smem:$0x3FB4] =	sst s6  }
0xf: {  	[smem:$0x3FB5] =	sst s7  }
0x10: {  	[smem:$0x3FB6] =	sst s8  }
0x11: {  	[smem:$0x3FB7] =	sst s9;
	s0 =	simm.s32 @!p0 $0x0  }
0x12: {  	s1 =	sld [smem:$0x3F9D];
	s0 =	simm.s32 @p0 $0x1  }
0x13: {  	[smem:$0x3FB8] =	sst s0;
	s0 =	simm.s32 @!p1 $0x0  }
0x14: {  	s2 =	sld [smem:$0x3F9C];
	s0 =	simm.s32 @p1 $0x1  }
0x15: {  	[smem:$0x3FB9] =	sst s0;
	s0 =	simm.s32 @!p2 $0x0  }
0x16: {  	s3 =	sld [smem:$0x3FDB];
	s0 =	simm.s32 @p2 $0x1  }
0x17: {  	s4 =	simm.s32 $0x1BF5;
	[smem:$0x3FBB] =	sst s0  }
0x18: {  	s0 =	sld [smem:$0x3F9E];
	_ =	swait.ge [sflag:s4], $0x0  }
0x19: {  	s7 =	sld [smem:$0x3F9F]  }
0x1a: {  	s8 =	sadd.s32 $0xFFFFE003, lr  }
0x1b: {  	s9 =	sadd.s32 $0xFFFFFEF7, lr;
	s5 =	simm.s32 $0xFFFFFFFF;
	p2 =	slt.u32 s8, $0xFFFFF086  }
0x1c: {  	p1 =	slt.u32 s9, $0xF7A;
	s5 =	simm.s32 @!p2 $0x0  }
0x1d: {  	s5 =	simm.s32 @p1 $0x1;
	p0 =	seq.s32 s7, s2  }
0x1e: {  	s7 =	smul.u32 @!p0 $0xF7A, s2;
	p2 =	seq.s32 @!p0 s5, $0x0  }
0x1f: {  	s9 =	smul.u32 $0xF7A, s1;
	s8 =	simm.s32 @!p0 $0x1BF5;
	p2 =	por !p2, p0  }
0x20: {  	[sflag:s8] =	ssyncset.s32 @!p0 $0xFFFFF086;
	s6 =	sadd.s32 @!p0 s3, s7;
	s7 =	simm.s32 @!p0 $0x108  }
0x21: {  	s3 =	sadd.s32 s3, s9;
	s6 =	sadd.s32 @!p0 $0x88, s6;
	s7 =	simm.s32 @p2 $0x1082  }
0x22: {  	[simem:s7], [sflag:s8] =	dma.local @!p0 [hbm:s6], $0xF7A  }
0x23: {  	s9 =	sor.u32 $0xD0000000, s2;
	s6 =	simm.s32 $0x108;
	_ =	swait.ge @!p0 [sflag:s8], $0x0  }
0x24: {  	s3 =	sadd.s32 $0x88, s3;
	s6 =	simm.s32 @!p1 $0x1082;
	[sflag:s4] =	ssyncset.s32 $0xFFFFF086  }
0x25: {  	[simem:s6], [sflag:s4] =	dma.local [hbm:s3], $0xF7A  }
0x26: {  	[smem:$0x3F9F] =	sst s1;
	(tag) =	ssettag s2;
	_ =	strace s9  }
0x27: {  	s1 =	sld [smem:$0x3FAF]  }
0x28: {  	s2 =	sld [smem:$0x3FB0]  }
0x29: {  	s4 =	sld [smem:$0x3FB2]  }
0x2a: {  	p0 =	seq.s32 s5, $0x0;
	s5 =	sld [smem:$0x3FB3]  }
0x2b: {  	s6 =	sld [smem:$0x3FB4]  }
0x2c: {  	s7 =	sld [smem:$0x3FB5]  }
0x2d: {  	s3 =	simm.s32 $0x108;
	s8 =	sld [smem:$0x3FB6]  }
0x2e: {  	s3 =	simm.s32 @!p0 $0x1082;
	s9 =	sld [smem:$0x3FB7]  }
0x2f: {  	lr =	sadd.s32 s0, s3;
	s0 =	sld [smem:$0x3FAE]  }
0x30: {  	s3 =	sld [smem:$0x3FB1]  }
0x31: {  	[smem:$0x3FBA] =	sst s10  }
0x32: {  	s10 =	sld [smem:$0x3FB8];
	_ =	sdelay $0x3  }
0x33: {  	p0 =	seq.s32 s10, $0x1;
	s10 =	sld [smem:$0x3FBA];
	_ =	sdelay $0x3  }
0x34: {  	[smem:$0x3FBA] =	sst s10  }
0x35: {  	s10 =	sld [smem:$0x3FB9];
	_ =	sdelay $0x3  }
0x36: {  	p1 =	seq.s32 s10, $0x1;
	s10 =	sld [smem:$0x3FBA];
	_ =	sdelay $0x3  }
0x37: {  	[smem:$0x3FBA] =	sst s10  }
0x38: {  	s10 =	sld [smem:$0x3FBB]  }
0x39: {  	_ = 	snop;
	(pc) =	sbr.ind lr, $3  }
0x3a: {  	_ = 	snop  }
0x3b: {  	_ = 	snop  }
0x3c: {  	p2 =	seq.s32 s10, $0x1;
	s10 =	sld [smem:$0x3FBA]  }
0x3d: {  	_ =	shalt  }
0x3e: {  	_ =	shalt  }
0x3f: {  	_ =	shalt  }
0x40: {  	_ =	shalt  }
0x41: {  	_ =	shalt  }
0x42: {  	_ =	shalt  }
0x43: {  	_ =	shalt  }
0x44: {  	_ =	shalt  }
0x45: {  	_ =	shalt  }
0x46: {  	_ =	shalt  }
0x47: {  	_ =	shalt  }
0x48: {  	_ =	shalt  }
0x49: {  	_ =	shalt  }
0x4a: {  	_ =	shalt  }
0x4b: {  	_ =	shalt  }
0x4c: {  	_ =	shalt  }
0x4d: {  	_ =	shalt  }
0x4e: {  	_ =	shalt  }
0x4f: {  	_ =	shalt  }
0x50: {  	_ =	shalt  }
0x51: {  	_ =	shalt  }
0x52: {  	_ =	shalt  }
0x53: {  	_ =	shalt  }
0x54: {  	_ =	shalt  }
0x55: {  	_ =	shalt  }
0x56: {  	_ =	shalt  }
0x57: {  	_ =	shalt  }
0x58: {  	_ =	shalt  }
0x59: {  	_ =	shalt  }
0x5a: {  	_ =	shalt  }
0x5b: {  	_ =	shalt  }
0x5c: {  	_ =	shalt  }
0x5d: {  	_ =	shalt  }
0x5e: {  	_ =	shalt  }
0x5f: {  	_ =	shalt  }
0x60: {  	_ =	shalt  }
0x61: {  	_ =	shalt  }
0x62: {  	_ =	shalt  }
0x63: {  	_ =	shalt  }
0x64: {  	_ =	shalt  }
0x65: {  	_ =	shalt  }
0x66: {  	_ =	shalt  }
0x67: {  	_ =	shalt  }
0x68: {  	_ =	shalt  }
0x69: {  	_ =	shalt  }
0x6a: {  	_ =	shalt  }
0x6b: {  	_ =	shalt  }
0x6c: {  	_ =	shalt  }
0x6d: {  	_ =	shalt  }
0x6e: {  	_ =	shalt  }
0x6f: {  	_ =	shalt  }
0x70: {  	_ =	shalt  }
0x71: {  	_ =	shalt  }
0x72: {  	_ =	shalt  }
0x73: {  	_ =	shalt  }
0x74: {  	_ =	shalt  }
0x75: {  	_ =	shalt  }
0x76: {  	_ =	shalt  }
0x77: {  	_ =	shalt  }
0x78: {  	_ =	shalt  }
0x79: {  	_ =	shalt  }
0x7a: {  	_ =	shalt  }
0x7b: {  	_ =	shalt  }
0x7c: {  	_ =	shalt  }
0x7d: {  	_ =	shalt  }
0x7e: {  	_ =	shalt  }
0x7f: {  	_ =	shalt  }
0x80: {  	_ =	shalt  }
0x81: {  	_ =	shalt  }
0x82: {  	_ =	shalt  }
0x83: {  	_ =	shalt  }
0x84: {  	_ =	shalt  }
0x85: {  	_ =	shalt  }
0x86: {  	_ =	shalt  }
0x87: {  	_ =	shalt  }
.Lfunc_end0:
.L_simem_size_0:
called_computation_lowered:
.L_overlay_start_0:
0x88: {  	s2 =	sld [smem:$0x3FD9]  }
0x89: {  	s3 =	sld [smem:$0x3FFE];
	_ =	sdelay $0x1  }
0x8a: {  	s1 =	srdreg.scid  }
0x8b: {  	s0 =	sand.u32 $0x1, s1  }
0x8c: {  	s17 =	sshll.u32 s0, $0xA;
	s2 =	sadd.s32 s3, s2  }
0x8d: {  	s2 =	sadd.s32 s2, s17  }
0x8e: {  	[smem:$0x3FC6] =	sst s2  }
0x8f: {  	_ = 	snop  }
0x90: {  	s2 =	sld [smem:$0x3FC9]  }
0x91: {  	s18 =	sld [smem:$0x3FD0];
	(tm) =	ssettm $0x1  }
0x92: {  	s4 =	sld [smem:$0x3FFB];
	_ =	sdelay $0x3  }
0x93: {  	_ =	strace s4  }
0x94: {  	s4 =	sld [smem:$0x3FFC];
	_ =	sdelay $0x3  }
0x95: {  	_ =	strace s4  }
0x96: {  	s4 =	sld [smem:$0x3FFD];
	_ =	sdelay $0x3  }
0x97: {  	_ =	strace s4  }
0x98: {  	_ =	strace $0x8FFFFFFF  }
0x99: {  	s19 =	sld [smem:$0x3FDB];
	_ =	sdelay $0x1  }
0x9a: {  	s5 =	simm.s32 $_scs_section_size  }
0x9b: {  	s6 =	simm.s32 $_size__tile_overlayer_lowered;
	s7 =	simm.s32 $_tile_overlayer_lowered  }
0x9c: {  	s22 =	simm.s32 $0x1BFF;
	s21 =	sshll.u32 s7, $0x1;
	s4 =	sadd.s32 s5, s19  }
0x9d: {  	s8 =	simm.s32 $0x0;
	s20 =	sshll.u32 s6, $0x1;
	s6 =	sadd.s32 s21, s4  }
0x9e: {  	[timem:s8], [sflag:s22] =	dma.local [hbm:s6], s20  }
0x9f: {  	_ =	swait.ge [sflag:s22], s20  }
0xa0: {  	s5 =	ssub.s32 $0x0, s20;
	[sflag:s22] =	ssyncset.done $0x0  }
0xa1: {  	[sflag:s22] =	ssyncadd.s32 s5;
	_ =	sdelay $0x1  }
0xa2: {  	s23 =	simm.s32 $0x1B8B  }
0xa3: {  	_ =	swait.ge [sflag:s23], $0x1  }
0xa4: {  	[sflag:s23] =	ssyncset.done $0x0  }
0xa5: {  	s25 =	simm.s32 $0x1B8E;
	s24 =	sld [smem:$0x3FFE];
	[sflag:s23] =	ssyncadd.s32 $0xFFFFFFFF  }
0xa6: {  	s26 =	simm.s32 $execute0_lowered;
	[smem:$0x3FD2] =	sst s25  }
0xa7: {  	s6 =	sshll.u32 s26, $0x1;
	_ =	strace $0x80000046;
	[dreg:$0x1] =	wrdreg $0xFFFFFFFF  }
0xa8: {  	s28 =	simm.s32 $_size_execute0_lowered;
	s4 =	sadd.s32 s4, s6;
	[dreg:$0x0] =	wrdreg $0x0  }
0xa9: {  	s6 =	sshll.u32 s28, $0x1;
	[dreg:$0x2] =	wrdreg s4  }
0xaa: {  	[dreg:$0x3] =	wrdreg s6  }
0xab: {  	[dreg:$0x4] =	wrdreg $0xC0  }
0xac: {  	_ =	task [dreg:s8], $0x5FFFF  }
0xad: {  	[dreg:$0x1] =	wrdreg $0xFFFFFFFF  }
0xae: {  	[dreg:$0x0] =	wrdreg $0x60  }
0xaf: {  	[dreg:$0x2] =	wrdreg s2  }
0xb0: {  	[dreg:$0x3] =	wrdreg s24  }
0xb1: {  	[dreg:$0x4] =	wrdreg s18  }
0xb2: {  	[dreg:$0x5] =	wrdreg $0x9  }
0xb3: {  	_ =	task.clear_ibuf [dreg:s8], $0x6FFFF;
	_ =	strace $0x90000046  }
0xb4: {  	s29 =	simm.s32 $0x9;
	_ =	strace $0x80000048  }
0xb5: {  	_ =	swait.ge [sflag:s29], $0x1  }
0xb6: {  	[sflag:s29] =	ssyncadd.s32 $0xFFFFFFFF  }
0xb7: {  	_ =	strace $0x90000048  }
0xb8: {  	_ =	sfence  }
0xb9: {  	s30 =	sld [smem:$0x0];
	_ =	sdelay $0x2  }
0xba: {  	s31 =	sshll.u32 s1, $0xD;
	s1 =	sshrl.u32 s1, $0x2  }
0xbb: {  	s3 =	sand.u32 $0x4000, s31;
	s1 =	sadd.s32 s1, s30  }
0xbc: {  	s0 =	sor.u32 s3, s0;
	s1 =	sshll.u32 s1, $0x11  }
0xbd: {  	s0 =	sor.u32 s1, s0  }
0xbe: {  	s0 =	sadd.s32 $0x8F2B, s0  }
0xbf: {  	[sflag:s0] =	ssyncadd.remote.s32 $0x1  }
0xc0: {  	_ =	sfence.sel $0xFFFF  }
0xc1: {  	[dreg:$0x0] =	wrdreg $0xFFFFFFFF;
	(pc) =	sbr.abs _section_cstart, $3  }
0xc2: {  	[dreg:$0x1] =	wrdreg $0xFFFFFFFF  }
0xc3: {  	_ =	task.clear_ibuf [dreg:s8], $0x2FFFF;
	_ =	strace $0x9FFFFFFF  }
0xc4: {  	(tm) =	ssettm $0x7FFFFFFF  }
0xc5: {  	_ =	shalt  }
tec
execute0_lowered:
.L_overlay_start_1:
0x0: {  	(tag) =	ssettag $0x1  }
0x1: {  	s0 =	rddreg [dreg:$0x0]  }
0x2: {  	s1 =	rddreg [dreg:$0x1]  }
0x3: {  	s8 =	rddreg [dreg:$0x2]  }
0x4: {  	s2 =	srdreg.scid;
	s9 =	stileid.u32  }
0x5: {  	s4 =	simm.s32 $0x0;
	s29 =	simm.s32 $0x5;
	s31 =	simm.s32 $0x6  }
0x6: {  	s10 =	simm.s32 $0xD;
	s2 =	sand.u32 $0x1, s2;
	s6 =	smul.u32 $0x190, s9  }
0x7: {  	s3 =	sshll.u32 s9, $0x1;
	[smem:$0x7FF] =	sst s4;
	s23 =	smul.u32 $0xC8000, s9  }
0x8: {  	s4 =	sadd.s32 $0xF42A00, s1;
	s9 =	simm.s32 $0xC;
	s14 =	smul.u32 $0xC8, s2  }
0x9: {  	s3 =	sor.u32 s2, s3;
	s13 =	ssub.s32 $0x2, s2;
	s2 =	smul.u32 $0x64000, s2  }
0xa: {  	_ =	strace $0x80000047;
	s12 =	smul.u32 $0xC80, s3;
	s7 =	sshrl.u32 s13, $0x1  }
0xb: {  	s5 =	smul.u32 $0x320000, s3;
	s3 =	ssub.s32 s13, s7;
	s28 =	sadd.s32 s2, s23  }
0xc: {  	s18 =	sadd.s32 s14, s6;
	s0 =	sadd.s32 s0, s12;
	[dreg:$0x7] =	wrdreg s28  }
0xd: {  	s18 =	sshll.u32 s18, $0xB;
	s30 =	smax.u32 s3, $0x1;
	[dreg:$0x8] =	wrdreg s0  }
0xe: {  	s6 =	simm.s32 $0x9;
	s22 =	sor.u32 $0x3000, s18;
	[dreg:$0x11] =	wrdreg s30  }
0xf: {  	s5 =	sshrl.u32 s5, $0x3;
	s24 =	sor.u32 $0x2000, s18;
	[dreg:$0x4] =	wrdreg s22  }
0x10: {  	s5 =	sadd.s32 s8, s5;
	s26 =	sor.u32 $0x1000, s18;
	[dreg:$0x5] =	wrdreg s24  }
0x11: {  	s7 =	simm.s32 $0xA;
	s15 =	sadd.s32 $0x60000, s5;
	[dreg:$0x6] =	wrdreg s26  }
0x12: {  	s13 =	simm.s32 $0xF;
	s16 =	sadd.s32 $0x60800, s5;
	[dreg:$0x9] =	wrdreg s15  }
0x13: {  	s14 =	simm.s32 $0x10;
	s17 =	sadd.s32 $0x61000, s5;
	[dreg:$0xa] =	wrdreg s16  }
0x14: {  	s3 =	simm.s32 $0x7;
	s19 =	sadd.s32 $0x61800, s5;
	[dreg:$0xb] =	wrdreg s17  }
0x15: {  	s12 =	simm.s32 $0xE;
	s20 =	sadd.s32 $0x62000, s5;
	[dreg:$0xc] =	wrdreg s19  }
0x16: {  	s8 =	simm.s32 $0xB;
	s21 =	sadd.s32 $0x62800, s5;
	[dreg:$0xd] =	wrdreg s20  }
0x17: {  	s0 =	simm.s32 $0x0;
	s25 =	sadd.s32 $0x63000, s5;
	[dreg:$0xe] =	wrdreg s21  }
0x18: {  	s5 =	sadd.s32 $0x63800, s5;
	s24 =	simm.s32 $0x3;
	[dreg:$0xf] =	wrdreg s25  }
0x19: {  	s26 =	simm.s32 $0x4;
	s22 =	simm.s32 $0x14400;
	[dreg:$0x10] =	wrdreg s5  }
0x1a: {  	s17 =	simm.s32 $0x80;
	s20 =	simm.s32 $0x40;
	s5 =	simm.s32 $0x8  }
.LBB2_1:
0x1b: {  	[dreg:$0x12] =	wrdreg s0  }
0x1c: {  	s2 =	simm.s32 $0x0;
	s11 =	rddreg [dreg:$0x8];
	s25 =	simm.s32 $0x11  }
0x1d: {  	[tilespmem:s2], [sflag:$0x11] =	stream.linear.gather [hbm4b:s11+s2], $0x6400, $0x38;
	[tilespmem:$0x16400] =	vst v63  }
0x1e: {  	_ =	swait.ge [sflag:s25], $0x6400  }
0x1f: {  	[sflag:s25] =	ssyncset.done $0x0  }
0x20: {  	s16 =	simm.s32 $0x6400;
	[sflag:s25] =	ssyncadd.s32 $0xFFFF9C00  }
0x21: {  	[tilespmem:s16], [sflag:$0x1] =	stream.indirect.gather [hbm4b:s4+s17], $0x40, s2, s17, $0xb8;
	[tilespmem:$0x16400] =	vst v63  }
0x22: {  	s19 =	simm.s32 $0x8400  }
0x23: {  	[tilespmem:s19], [sflag:$0x2] =	stream.indirect.gather [hbm4b:s4+s17], $0x40, s17, s17, $0xb8;
	[tilespmem:$0x16400] =	vst v63  }
0x24: {  	s28 =	simm.s32 $0x100;
	s21 =	simm.s32 $0xA400  }
0x25: {  	[tilespmem:s21], [sflag:$0x3] =	stream.indirect.gather [hbm4b:s4+s17], $0x40, s28, s17, $0xb8;
	[tilespmem:$0x16400] =	vst v63  }
0x26: {  	s30 =	simm.s32 $0x180;
	s23 =	simm.s32 $0xC400  }
0x27: {  	[tilespmem:s23], [sflag:$0x4] =	stream.indirect.gather [hbm4b:s4+s17], $0x40, s30, s17, $0xb8;
	[tilespmem:$0x16400] =	vst v63  }
0x28: {  	s0 =	simm.s32 $0x200;
	s25 =	simm.s32 $0xE400  }
0x29: {  	[tilespmem:s25], [sflag:$0x5] =	stream.indirect.gather [hbm4b:s4+s17], $0x40, s0, s17, $0xb8;
	[tilespmem:$0x16400] =	vst v63  }
0x2a: {  	s1 =	simm.s32 $0x280;
	s28 =	simm.s32 $0x10400  }
0x2b: {  	[tilespmem:s28], [sflag:$0x6] =	stream.indirect.gather [hbm4b:s4+s17], $0x40, s1, s17, $0xb8;
	[tilespmem:$0x16400] =	vst v63  }
0x2c: {  	s11 =	simm.s32 $0x300;
	s30 =	simm.s32 $0x12400  }
0x2d: {  	[tilespmem:s30], [sflag:$0x7] =	stream.indirect.gather [hbm4b:s4+s17], $0x40, s11, s17, $0xb8;
	[tilespmem:$0x16400] =	vst v63  }
0x2e: {  	s15 =	simm.s32 $0x380;
	s2 =	simm.s32 $0x1;
	s1 =	simm.s32 $0x14400  }
0x2f: {  	[tilespmem:s1], [sflag:$0x8] =	stream.indirect.gather [hbm4b:s4+s17], $0x40, s15, s17, $0xb8;
	[tilespmem:$0x16400] =	vst v63  }
0x30: {  	_ =	swait.ge [sflag:s2], $0x2000  }
0x31: {  	[sflag:s2] =	ssyncset.done $0x0  }
0x32: {  	s11 =	rddreg [dreg:$0x7];
	[sflag:s2] =	ssyncadd.s32 $0xFFFFE000  }
0x33: {  	s15 =	rddreg [dreg:$0x2]  }
0x34: {  	s2 =	sadd.s32 s15, s11;
	s11 =	simm.s32 $0x2  }
0x35: {  	[hbm4b:s2+s20] =	stream.strided.scatter [tilespmem:s16], [sflag:$0x9], $0x2000, s17, s20, $0x38;
	[tilespmem:$0x16400] =	vst v63  }
0x36: {  	_ =	swait.ge [sflag:s11], $0x2000  }
0x37: {  	s2 =	sadd.s32 s15, s18;
	[sflag:s11] =	ssyncset.done $0x0  }
0x38: {  	s0 =	sadd.s32 $0x800, s2;
	[sflag:s11] =	ssyncadd.s32 $0xFFFFE000  }
0x39: {  	[hbm4b:s0+s20] =	stream.strided.scatter [tilespmem:s19], [sflag:$0xA], $0x2000, s17, s20, $0x38;
	[tilespmem:$0x16400] =	vst v63  }
0x3a: {  	_ =	swait.ge [sflag:s24], $0x2000  }
0x3b: {  	s0 =	rddreg [dreg:$0x6];
	[sflag:s24] =	ssyncset.done $0x0  }
0x3c: {  	[sflag:s24] =	ssyncadd.s32 $0xFFFFE000;
	s11 =	sadd.s32 s15, s0  }
0x3d: {  	[hbm4b:s11+s20] =	stream.strided.scatter [tilespmem:s21], [sflag:$0xB], $0x2000, s17, s20, $0x38;
	[tilespmem:$0x16400] =	vst v63  }
0x3e: {  	_ =	swait.ge [sflag:s26], $0x2000  }
0x3f: {  	[sflag:s26] =	ssyncset.done $0x0  }
0x40: {  	s0 =	sadd.s32 $0x1800, s2;
	[sflag:s26] =	ssyncadd.s32 $0xFFFFE000  }
0x41: {  	[hbm4b:s0+s20] =	stream.strided.scatter [tilespmem:s23], [sflag:$0xC], $0x2000, s17, s20, $0x38;
	[tilespmem:$0x16400] =	vst v63  }
0x42: {  	_ =	swait.ge [sflag:s29], $0x2000  }
0x43: {  	s0 =	rddreg [dreg:$0x5];
	[sflag:s29] =	ssyncset.done $0x0  }
0x44: {  	[sflag:s29] =	ssyncadd.s32 $0xFFFFE000;
	s11 =	sadd.s32 s15, s0  }
0x45: {  	[hbm4b:s11+s20] =	stream.strided.scatter [tilespmem:s25], [sflag:$0xD], $0x2000, s17, s20, $0x38;
	[tilespmem:$0x16400] =	vst v63  }
0x46: {  	_ =	swait.ge [sflag:s31], $0x2000  }
0x47: {  	[sflag:s31] =	ssyncset.done $0x0  }
0x48: {  	s0 =	sadd.s32 $0x2800, s2;
	[sflag:s31] =	ssyncadd.s32 $0xFFFFE000  }
0x49: {  	[hbm4b:s0+s20] =	stream.strided.scatter [tilespmem:s28], [sflag:$0xE], $0x2000, s17, s20, $0x38;
	[tilespmem:$0x16400] =	vst v63  }
0x4a: {  	_ =	swait.ge [sflag:s3], $0x2000  }
0x4b: {  	s0 =	rddreg [dreg:$0x4];
	[sflag:s3] =	ssyncset.done $0x0  }
0x4c: {  	[sflag:s3] =	ssyncadd.s32 $0xFFFFE000;
	s11 =	sadd.s32 s15, s0  }
0x4d: {  	[hbm4b:s11+s20] =	stream.strided.scatter [tilespmem:s30], [sflag:$0xF], $0x2000, s17, s20, $0x38;
	[tilespmem:$0x16400] =	vst v63  }
0x4e: {  	_ =	swait.ge [sflag:s5], $0x2000  }
0x4f: {  	[sflag:s5] =	ssyncset.done $0x0  }
0x50: {  	s2 =	sadd.s32 $0x3800, s2;
	[sflag:s5] =	ssyncadd.s32 $0xFFFFE000  }
0x51: {  	[hbm4b:s2+s20] =	stream.strided.scatter [tilespmem:s1], [sflag:$0x10], $0x2000, s17, s20, $0x38;
	[tilespmem:$0x16400] =	vst v63  }
0x52: {  	_ =	swait.ge [sflag:s6], $0x2000  }
0x53: {  	[sflag:s6] =	ssyncset.done $0x0  }
0x54: {  	s11 =	simm.s32 $0x400;
	[sflag:s6] =	ssyncadd.s32 $0xFFFFE000  }
0x55: {  	[tilespmem:s16], [sflag:$0x1] =	stream.indirect.gather [hbm4b:s4+s17], $0x40, s11, s17, $0xb8;
	[tilespmem:$0x16400] =	vst v63  }
0x56: {  	_ =	swait.ge [sflag:s7], $0x2000  }
0x57: {  	[sflag:s7] =	ssyncset.done $0x0  }
0x58: {  	s16 =	simm.s32 $0x480;
	[sflag:s7] =	ssyncadd.s32 $0xFFFFE000  }
0x59: {  	[tilespmem:s19], [sflag:$0x2] =	stream.indirect.gather [hbm4b:s4+s17], $0x40, s16, s17, $0xb8;
	[tilespmem:$0x16400] =	vst v63  }
0x5a: {  	_ =	swait.ge [sflag:s8], $0x2000  }
0x5b: {  	[sflag:s8] =	ssyncset.done $0x0  }
0x5c: {  	s19 =	simm.s32 $0x500;
	[sflag:s8] =	ssyncadd.s32 $0xFFFFE000  }
0x5d: {  	[tilespmem:s21], [sflag:$0x3] =	stream.indirect.gather [hbm4b:s4+s17], $0x40, s19, s17, $0xb8;
	[tilespmem:$0x16400] =	vst v63  }
0x5e: {  	_ =	swait.ge [sflag:s9], $0x2000  }
0x5f: {  	[sflag:s9] =	ssyncset.done $0x0  }
0x60: {  	s21 =	simm.s32 $0x580;
	[sflag:s9] =	ssyncadd.s32 $0xFFFFE000  }
0x61: {  	[tilespmem:s23], [sflag:$0x4] =	stream.indirect.gather [hbm4b:s4+s17], $0x40, s21, s17, $0xb8;
	[tilespmem:$0x16400] =	vst v63  }
0x62: {  	_ =	swait.ge [sflag:s10], $0x2000  }
0x63: {  	[sflag:s10] =	ssyncset.done $0x0  }
0x64: {  	s23 =	simm.s32 $0x600;
	[sflag:s10] =	ssyncadd.s32 $0xFFFFE000  }
0x65: {  	[tilespmem:s25], [sflag:$0x5] =	stream.indirect.gather [hbm4b:s4+s17], $0x40, s23, s17, $0xb8;
	[tilespmem:$0x16400] =	vst v63  }
0x66: {  	_ =	swait.ge [sflag:s12], $0x2000  }
0x67: {  	[sflag:s12] =	ssyncset.done $0x0  }
0x68: {  	s25 =	simm.s32 $0x680;
	[sflag:s12] =	ssyncadd.s32 $0xFFFFE000  }
0x69: {  	[tilespmem:s28], [sflag:$0x6] =	stream.indirect.gather [hbm4b:s4+s17], $0x40, s25, s17, $0xb8;
	[tilespmem:$0x16400] =	vst v63  }
0x6a: {  	_ =	swait.ge [sflag:s13], $0x2000  }
0x6b: {  	[sflag:s13] =	ssyncset.done $0x0  }
0x6c: {  	s28 =	simm.s32 $0x700;
	[sflag:s13] =	ssyncadd.s32 $0xFFFFE000  }
0x6d: {  	[tilespmem:s30], [sflag:$0x7] =	stream.indirect.gather [hbm4b:s4+s17], $0x40, s28, s17, $0xb8;
	[tilespmem:$0x16400] =	vst v63  }
0x6e: {  	_ =	swait.ge [sflag:s14], $0x2000  }
0x6f: {  	s2 =	sadd.s32 $0x4000, s15;
	[sflag:s14] =	ssyncset.done $0x0  }
0x70: {  	s11 =	simm.s32 $0x780;
	s16 =	simm.s32 $0x1000;
	[sflag:s14] =	ssyncadd.s32 $0xFFFFE000  }
.LBB2_2:
0x71: {  	[tilespmem:s22], [sflag:$0x8] =	stream.indirect.gather [hbm4b:s4+s17], $0x40, s11, s17, $0xb8;
	[tilespmem:$0x16400] =	vst v63  }
0x72: {  	s0 =	simm.s32 $0x1  }
0x73: {  	_ =	swait.ge [sflag:s0], $0x2000  }
0x74: {  	s23 =	simm.s32 $0x2;
	s21 =	rddreg [dreg:$0x7];
	[sflag:s0] =	ssyncset.done $0x0  }
0x75: {  	[sflag:s0] =	ssyncadd.s32 $0xFFFFE000;
	s11 =	sadd.s32 s2, s21;
	s21 =	simm.s32 $0x6400  }
0x76: {  	[hbm4b:s11+s20] =	stream.strided.scatter [tilespmem:s21], [sflag:$0x9], $0x2000, s17, s20, $0x38;
	[tilespmem:$0x16400] =	vst v63  }
0x77: {  	_ =	swait.ge [sflag:s23], $0x2000  }
0x78: {  	s11 =	sadd.s32 s2, s18;
	[sflag:s23] =	ssyncset.done $0x0  }
0x79: {  	s25 =	sadd.s32 $0x800, s11;
	[sflag:s23] =	ssyncadd.s32 $0xFFFFE000;
	s23 =	simm.s32 $0x8400  }
0x7a: {  	[hbm4b:s25+s20] =	stream.strided.scatter [tilespmem:s23], [sflag:$0xA], $0x2000, s17, s20, $0x38;
	[tilespmem:$0x16400] =	vst v63  }
0x7b: {  	_ =	swait.ge [sflag:s24], $0x2000  }
0x7c: {  	s19 =	smov.u32 s18;
	s0 =	rddreg [dreg:$0x6];
	[sflag:s24] =	ssyncset.done $0x0  }
0x7d: {  	s25 =	simm.s32 $0xA400;
	[sflag:s24] =	ssyncadd.s32 $0xFFFFE000;
	s18 =	sadd.s32 s2, s0  }
0x7e: {  	[hbm4b:s18+s20] =	stream.strided.scatter [tilespmem:s25], [sflag:$0xB], $0x2000, s17, s20, $0x38;
	[tilespmem:$0x16400] =	vst v63  }
0x7f: {  	_ =	swait.ge [sflag:s26], $0x2000  }
0x80: {  	[sflag:s26] =	ssyncset.done $0x0  }
0x81: {  	s28 =	simm.s32 $0xC400;
	s1 =	sadd.s32 $0x1800, s11;
	[sflag:s26] =	ssyncadd.s32 $0xFFFFE000  }
0x82: {  	[hbm4b:s1+s20] =	stream.strided.scatter [tilespmem:s28], [sflag:$0xC], $0x2000, s17, s20, $0x38;
	[tilespmem:$0x16400] =	vst v63  }
0x83: {  	_ =	swait.ge [sflag:s29], $0x2000  }
0x84: {  	s0 =	rddreg [dreg:$0x5];
	[sflag:s29] =	ssyncset.done $0x0  }
0x85: {  	s30 =	simm.s32 $0xE400;
	[sflag:s29] =	ssyncadd.s32 $0xFFFFE000;
	s18 =	sadd.s32 s2, s0  }
0x86: {  	[hbm4b:s18+s20] =	stream.strided.scatter [tilespmem:s30], [sflag:$0xD], $0x2000, s17, s20, $0x38;
	[tilespmem:$0x16400] =	vst v63  }
0x87: {  	_ =	swait.ge [sflag:s31], $0x2000  }
0x88: {  	[sflag:s31] =	ssyncset.done $0x0  }
0x89: {  	s1 =	sadd.s32 $0x2800, s11;
	s0 =	simm.s32 $0x10400;
	[sflag:s31] =	ssyncadd.s32 $0xFFFFE000  }
0x8a: {  	[hbm4b:s1+s20] =	stream.strided.scatter [tilespmem:s0], [sflag:$0xE], $0x2000, s17, s20, $0x38;
	[tilespmem:$0x16400] =	vst v63  }
0x8b: {  	_ =	swait.ge [sflag:s3], $0x2000  }
0x8c: {  	s1 =	rddreg [dreg:$0x4];
	[sflag:s3] =	ssyncset.done $0x0  }
0x8d: {  	[sflag:s3] =	ssyncadd.s32 $0xFFFFE000;
	s18 =	sadd.s32 s2, s1;
	s1 =	simm.s32 $0x12400  }
0x8e: {  	[hbm4b:s18+s20] =	stream.strided.scatter [tilespmem:s1], [sflag:$0xF], $0x2000, s17, s20, $0x38;
	[tilespmem:$0x16400] =	vst v63  }
0x8f: {  	_ =	swait.ge [sflag:s5], $0x2000  }
0x90: {  	[sflag:s5] =	ssyncset.done $0x0  }
0x91: {  	s11 =	sadd.s32 $0x3800, s11;
	[sflag:s5] =	ssyncadd.s32 $0xFFFFE000  }
0x92: {  	[hbm4b:s11+s20] =	stream.strided.scatter [tilespmem:s22], [sflag:$0x10], $0x2000, s17, s20, $0x38;
	[tilespmem:$0x16400] =	vst v63  }
0x93: {  	s15 =	smov.u32 s16;
	_ =	swait.ge [sflag:s6], $0x2000  }
0x94: {  	s11 =	sshra.s32 s15, $0x2;
	[sflag:s6] =	ssyncset.done $0x0  }
0x95: {  	s15 =	sadd.s32 $0x400, s11;
	[sflag:s6] =	ssyncadd.s32 $0xFFFFE000  }
0x96: {  	[tilespmem:s21], [sflag:$0x1] =	stream.indirect.gather [hbm4b:s4+s17], $0x40, s15, s17, $0xb8;
	[tilespmem:$0x16400] =	vst v63  }
0x97: {  	_ =	swait.ge [sflag:s7], $0x2000  }
0x98: {  	[sflag:s7] =	ssyncset.done $0x0  }
0x99: {  	s15 =	sadd.s32 $0x480, s11;
	[sflag:s7] =	ssyncadd.s32 $0xFFFFE000  }
0x9a: {  	[tilespmem:s23], [sflag:$0x2] =	stream.indirect.gather [hbm4b:s4+s17], $0x40, s15, s17, $0xb8;
	[tilespmem:$0x16400] =	vst v63  }
0x9b: {  	_ =	swait.ge [sflag:s8], $0x2000  }
0x9c: {  	[sflag:s8] =	ssyncset.done $0x0  }
0x9d: {  	s15 =	sadd.s32 $0x500, s11;
	[sflag:s8] =	ssyncadd.s32 $0xFFFFE000  }
0x9e: {  	[tilespmem:s25], [sflag:$0x3] =	stream.indirect.gather [hbm4b:s4+s17], $0x40, s15, s17, $0xb8;
	[tilespmem:$0x16400] =	vst v63  }
0x9f: {  	_ =	swait.ge [sflag:s9], $0x2000  }
0xa0: {  	[sflag:s9] =	ssyncset.done $0x0  }
0xa1: {  	s15 =	sadd.s32 $0x580, s11;
	[sflag:s9] =	ssyncadd.s32 $0xFFFFE000  }
0xa2: {  	[tilespmem:s28], [sflag:$0x4] =	stream.indirect.gather [hbm4b:s4+s17], $0x40, s15, s17, $0xb8;
	[tilespmem:$0x16400] =	vst v63  }
0xa3: {  	_ =	swait.ge [sflag:s10], $0x2000  }
0xa4: {  	[sflag:s10] =	ssyncset.done $0x0  }
0xa5: {  	s15 =	sadd.s32 $0x600, s11;
	[sflag:s10] =	ssyncadd.s32 $0xFFFFE000  }
0xa6: {  	[tilespmem:s30], [sflag:$0x5] =	stream.indirect.gather [hbm4b:s4+s17], $0x40, s15, s17, $0xb8;
	[tilespmem:$0x16400] =	vst v63  }
0xa7: {  	_ =	swait.ge [sflag:s12], $0x2000  }
0xa8: {  	p0 =	sne.s32 s16, $0x17000;
	[sflag:s12] =	ssyncset.done $0x0  }
0xa9: {  	s16 =	sadd.s32 $0x1000, s16;
	s15 =	sadd.s32 $0x680, s11;
	[sflag:s12] =	ssyncadd.s32 $0xFFFFE000  }
0xaa: {  	[tilespmem:s0], [sflag:$0x6] =	stream.indirect.gather [hbm4b:s4+s17], $0x40, s15, s17, $0xb8;
	[tilespmem:$0x16400] =	vst v63  }
0xab: {  	s2 =	sadd.s32 $0x4000, s2;
	s18 =	smov.u32 s19;
	_ =	swait.ge [sflag:s13], $0x2000  }
0xac: {  	s19 =	simm.s32 $0x6400;
	s21 =	simm.s32 $0x8400;
	[sflag:s13] =	ssyncset.done $0x0  }
.Ltmp0:
0xad: {  	s15 =	sadd.s32 $0x700, s11;
	[sflag:s13] =	ssyncadd.s32 $0xFFFFE000;
	(pc) =	sbr.rel @p0 .LBB2_2-.Ltmp0, $4  }
0xae: {  	[tilespmem:s1], [sflag:$0x7] =	stream.indirect.gather [hbm4b:s4+s17], $0x40, s15, s17, $0xb8;
	[tilespmem:$0x16400] =	vst v63  }
0xaf: {  	s23 =	simm.s32 $0xA400;
	s25 =	simm.s32 $0xC400;
	_ =	swait.ge [sflag:s14], $0x2000  }
0xb0: {  	s28 =	simm.s32 $0xE400;
	s30 =	simm.s32 $0x10400;
	[sflag:s14] =	ssyncset.done $0x0  }
0xb1: {  	s0 =	simm.s32 $0x12400;
	s11 =	sadd.s32 $0x780, s11;
	[sflag:s14] =	ssyncadd.s32 $0xFFFFE000  }
0xb2: {  	s1 =	simm.s32 $0x14400;
	s2 =	simm.s32 $0x1  }
0xb3: {  	[tilespmem:s1], [sflag:$0x8] =	stream.indirect.gather [hbm4b:s4+s17], $0x40, s11, s17, $0xb8;
	[tilespmem:$0x16400] =	vst v63  }
0xb4: {  	_ =	swait.ge [sflag:s2], $0x2000  }
0xb5: {  	[sflag:s2] =	ssyncset.done $0x0  }
0xb6: {  	s16 =	rddreg [dreg:$0x9];
	[sflag:s2] =	ssyncadd.s32 $0xFFFFE000  }
0xb7: {  	[hbm4b:s16+s20] =	stream.strided.scatter [tilespmem:s19], [sflag:$0x9], $0x2000, s17, s20, $0x38;
	[tilespmem:$0x16400] =	vst v63  }
0xb8: {  	s19 =	simm.s32 $0x2  }
0xb9: {  	_ =	swait.ge [sflag:s19], $0x2000  }
0xba: {  	[sflag:s19] =	ssyncset.done $0x0  }
0xbb: {  	s11 =	rddreg [dreg:$0xa];
	[sflag:s19] =	ssyncadd.s32 $0xFFFFE000  }
0xbc: {  	[hbm4b:s11+s20] =	stream.strided.scatter [tilespmem:s21], [sflag:$0xA], $0x2000, s17, s20, $0x38;
	[tilespmem:$0x16400] =	vst v63  }
0xbd: {  	_ =	swait.ge [sflag:s24], $0x2000  }
0xbe: {  	[sflag:s24] =	ssyncset.done $0x0  }
0xbf: {  	s15 =	rddreg [dreg:$0xb];
	[sflag:s24] =	ssyncadd.s32 $0xFFFFE000  }
0xc0: {  	[hbm4b:s15+s20] =	stream.strided.scatter [tilespmem:s23], [sflag:$0xB], $0x2000, s17, s20, $0x38;
	[tilespmem:$0x16400] =	vst v63  }
0xc1: {  	_ =	swait.ge [sflag:s26], $0x2000  }
0xc2: {  	[sflag:s26] =	ssyncset.done $0x0  }
0xc3: {  	s16 =	rddreg [dreg:$0xc];
	[sflag:s26] =	ssyncadd.s32 $0xFFFFE000  }
0xc4: {  	[hbm4b:s16+s20] =	stream.strided.scatter [tilespmem:s25], [sflag:$0xC], $0x2000, s17, s20, $0x38;
	[tilespmem:$0x16400] =	vst v63  }
0xc5: {  	_ =	swait.ge [sflag:s29], $0x2000  }
0xc6: {  	[sflag:s29] =	ssyncset.done $0x0  }
0xc7: {  	s19 =	rddreg [dreg:$0xd];
	[sflag:s29] =	ssyncadd.s32 $0xFFFFE000  }
0xc8: {  	[hbm4b:s19+s20] =	stream.strided.scatter [tilespmem:s28], [sflag:$0xD], $0x2000, s17, s20, $0x38;
	[tilespmem:$0x16400] =	vst v63  }
0xc9: {  	_ =	swait.ge [sflag:s31], $0x2000  }
0xca: {  	[sflag:s31] =	ssyncset.done $0x0  }
0xcb: {  	s21 =	rddreg [dreg:$0xe];
	[sflag:s31] =	ssyncadd.s32 $0xFFFFE000  }
0xcc: {  	[hbm4b:s21+s20] =	stream.strided.scatter [tilespmem:s30], [sflag:$0xE], $0x2000, s17, s20, $0x38;
	[tilespmem:$0x16400] =	vst v63  }
0xcd: {  	_ =	swait.ge [sflag:s3], $0x2000  }
0xce: {  	[sflag:s3] =	ssyncset.done $0x0  }
0xcf: {  	s23 =	rddreg [dreg:$0xf];
	[sflag:s3] =	ssyncadd.s32 $0xFFFFE000  }
0xd0: {  	[hbm4b:s23+s20] =	stream.strided.scatter [tilespmem:s0], [sflag:$0xF], $0x2000, s17, s20, $0x38;
	[tilespmem:$0x16400] =	vst v63  }
0xd1: {  	_ =	swait.ge [sflag:s5], $0x2000  }
0xd2: {  	[sflag:s5] =	ssyncset.done $0x0  }
0xd3: {  	s25 =	rddreg [dreg:$0x10];
	[sflag:s5] =	ssyncadd.s32 $0xFFFFE000  }
0xd4: {  	[hbm4b:s25+s20] =	stream.strided.scatter [tilespmem:s1], [sflag:$0x10], $0x2000, s17, s20, $0x38;
	[tilespmem:$0x16400] =	vst v63  }
0xd5: {  	_ =	swait.ge [sflag:s6], $0x2000  }
0xd6: {  	[sflag:s6] =	ssyncset.done $0x0  }
0xd7: {  	[sflag:s6] =	ssyncadd.s32 $0xFFFFE000  }
0xd8: {  	_ =	swait.ge [sflag:s7], $0x2000  }
0xd9: {  	[sflag:s7] =	ssyncset.done $0x0  }
0xda: {  	[sflag:s7] =	ssyncadd.s32 $0xFFFFE000  }
0xdb: {  	_ =	swait.ge [sflag:s8], $0x2000  }
0xdc: {  	[sflag:s8] =	ssyncset.done $0x0  }
0xdd: {  	[sflag:s8] =	ssyncadd.s32 $0xFFFFE000  }
0xde: {  	_ =	swait.ge [sflag:s9], $0x2000  }
0xdf: {  	[sflag:s9] =	ssyncset.done $0x0  }
0xe0: {  	[sflag:s9] =	ssyncadd.s32 $0xFFFFE000  }
0xe1: {  	_ =	swait.ge [sflag:s10], $0x2000  }
0xe2: {  	[sflag:s10] =	ssyncset.done $0x0  }
0xe3: {  	[sflag:s10] =	ssyncadd.s32 $0xFFFFE000  }
0xe4: {  	_ =	swait.ge [sflag:s12], $0x2000  }
0xe5: {  	[sflag:s12] =	ssyncset.done $0x0  }
0xe6: {  	[sflag:s12] =	ssyncadd.s32 $0xFFFFE000  }
0xe7: {  	_ =	swait.ge [sflag:s13], $0x2000  }
0xe8: {  	[sflag:s13] =	ssyncset.done $0x0  }
0xe9: {  	[sflag:s13] =	ssyncadd.s32 $0xFFFFE000  }
0xea: {  	_ =	swait.ge [sflag:s14], $0x2000  }
0xeb: {  	s28 =	rddreg [dreg:$0x12]  }
0xec: {  	s30 =	rddreg [dreg:$0x11];
	s0 =	sadd.s32 $0x1, s28  }
0xed: {  	p0 =	sne.s32 s0, s30  }
.Ltmp1:
0xee: {  	_ = 	snop;
	(pc) =	sbr.rel @p0 .LBB2_1-.Ltmp1, $3  }
0xef: {  	_ =	sdelay $0x1  }
0xf0: {  	[sflag:s14] =	ssyncset.done $0x0  }
0xf1: {  	[sflag:s14] =	ssyncadd.s32 $0xFFFFE000  }
0xf2: {  	_ =	sfence.sel $0x180000  }
0xf3: {  	[bflag:$0x0] =	sbarrier.arrive $0xFFFF  }
0xf4: {  	_ =	strace $0x90000047  }
0xf5: {  	s0 =	stileid.u32;
	[bflag:$0x2] =	sbarrier.arrive $0xFFFF  }
0xf6: {  	p0 =	sne.s32 s0, $0x0;
	s0 =	rddreg [dreg:$0x3]  }
0xf7: {  	s0 =	sadd.s32 @!p0 $0x100000, s0  }
0xf8: {  	[sflag:s0] =	ssyncadd.tile.s32 @!p0 $0x1;
	_ =	shalt  }
.Lfunc_end2:
_tile_overlayer_lowered:
.L_overlay_start_2:
0xf9: {  	(tag) =	ssettag $0x2  }
0xfa: {  	s0 =	rddreg [dreg:$0x0];
	s2 =	stileid.u32  }
0xfb: {  	s1 =	rddreg [dreg:$0x1];
	p0 =	sne.s32 s2, $0x0  }
0xfc: {  	s3 =	rddreg [dreg:$0x2];
	[bflag:$0x3] =	sbarrier.arrive $0xFFFF;
	s2 =	simm.s32 @!p0 $0x1C11  }
0xfd: {  	[timem:s3], [sflag:s2] =	dma.local @!p0 [hbm:s0], s1  }
0xfe: {  	s0 =	simm.s32 @!p0 $0x11  }
0xff: {  	_ =	swait.ge @!p0 [sflag:s0], s1  }
0x100: {  	s1 =	ssub.s32 @!p0 $0x0, s1;
	[sflag:s0] =	ssyncset.done @!p0 $0x0  }
0x101: {  	[sflag:s0] =	ssyncadd.s32 @!p0 s1  }
0x102: {  	[bflag:$0x3] =	sbarrier.arrive $0xFFFF  }
0x103: {  	_ =	shalt  }

</sc_bundles>
